<compile_context>
chip_gen: v7x
topology: tpu7x:2x2x1
jax: 0.10.2.dev20260603
libtpu: 0.0.44.dev20260713+nightly
codegen_flags: <defaults>
</compile_context>

<pallas_src>
import functools

import jax
import jax.numpy as jnp
from jax import lax
from jax.experimental import pallas as pl
from jax.experimental.pallas import tpu as pltpu
from jax.experimental.pallas import tpu_sc as plsc

_B = 16384
_NTAAL = 120


def _sc_gather_embeddings(mood, raga, taal, fused_table, raga_table):
    info = plsc.get_sparse_core_info()
    nc, ns = info.num_cores, info.num_subcores
    nw = nc * ns
    bpw = _B // nw
    ch = 128
    nch = bpw // ch
    lanes = info.num_lanes

    mesh = plsc.VectorSubcoreMesh(core_axis_name="c", subcore_axis_name="s")

    @functools.partial(
        pl.kernel,
        out_type=(
            jax.ShapeDtypeStruct((_B, 128), jnp.float32),
            jax.ShapeDtypeStruct((_B, 128), jnp.float32),
        ),
        mesh=mesh,
        scratch_types=[
            pltpu.VMEM((bpw,), jnp.int32),
            pltpu.VMEM((bpw,), jnp.int32),
            pltpu.VMEM((bpw,), jnp.int32),
            pltpu.VMEM((bpw,), jnp.int32),
            pltpu.VMEM((2, ch, 128), jnp.float32),
            pltpu.VMEM((2, ch, 128), jnp.float32),
            pltpu.SemaphoreType.DMA,
            pltpu.SemaphoreType.DMA,
            pltpu.SemaphoreType.DMA,
            pltpu.SemaphoreType.DMA,
            pltpu.SemaphoreType.DMA,
            pltpu.SemaphoreType.DMA,
            pltpu.SemaphoreType.DMA,
            pltpu.SemaphoreType.DMA,
        ],
    )
    def gather_kernel(mood_h, raga_h, taal_h, ft_h, rt_h,
                      of_h, or_h,
                      mi, ti, ri, fi, fbuf, rbuf,
                      gf0, gf1, gr0, gr1, wf0, wf1, wr0, wr1):
        wid = lax.axis_index("s") * nc + lax.axis_index("c")
        base = wid * bpw

        c_mi = pltpu.async_copy(mood_h.at[pl.ds(base, bpw)], mi, gf0)
        c_ti = pltpu.async_copy(taal_h.at[pl.ds(base, bpw)], ti, gf1)
        c_ri = pltpu.async_copy(raga_h.at[pl.ds(base, bpw)], ri, gr0)
        c_mi.wait()
        c_ti.wait()
        c_ri.wait()

        def fuse(k, carry):
            s = pl.ds(k * lanes, lanes)
            fi[s] = mi[s] * _NTAAL + ti[s]
            return carry

        lax.fori_loop(0, bpw // lanes, fuse, 0)

        gf = (gf0, gf1)
        gr = (gr0, gr1)
        wf = (wf0, wf1)
        wr = (wr0, wr1)

        def start_gather(i, slot):
            s = pl.ds(i * ch, ch)
            cf = pltpu.async_copy(ft_h.at[fi.at[s]], fbuf.at[slot], gf[slot])
            cr = pltpu.async_copy(rt_h.at[ri.at[s]], rbuf.at[slot], gr[slot])
            return cf, cr

        pend_g = start_gather(0, 0)
        pend_w = [None, None]
        for i in range(nch):
            slot = i % 2
            nxt = (i + 1) % 2
            if i + 1 < nch:
                if pend_w[nxt] is not None:
                    pend_w[nxt][0].wait()
                    pend_w[nxt][1].wait()
                    pend_w[nxt] = None
                next_g = start_gather(i + 1, nxt)
            pend_g[0].wait()
            pend_g[1].wait()
            off = base + i * ch
            cwf = pltpu.async_copy(fbuf.at[slot], of_h.at[pl.ds(off, ch)],
                                   wf[slot])
            cwr = pltpu.async_copy(rbuf.at[slot], or_h.at[pl.ds(off, ch)],
                                   wr[slot])
            pend_w[slot] = (cwf, cwr)
            if i + 1 < nch:
                pend_g = next_g
        for pw in pend_w:
            if pw is not None:
                pw[0].wait()
                pw[1].wait()

    return gather_kernel(mood, raga, taal, fused_table, raga_table)


_BLK = 2048


def _tc_body(fe_r, re_r, t_r, d_r, vt_r, vd_r, bias_r,
             wp_r, g_r, b_r, o_r):
    f32 = jnp.float32
    bf16 = jnp.bfloat16
    w_fused = jnp.concatenate(
        [wp_r[0:64, :], wp_r[192:256, :]], axis=0).astype(bf16)
    w_raga = wp_r[64:192, :].astype(bf16)

    h = jnp.dot(fe_r[...].astype(bf16), w_fused, preferred_element_type=f32)
    h += jnp.dot(re_r[...].astype(bf16), w_raga, preferred_element_type=f32)
    h += (t_r[...] * vt_r[...] + d_r[...] * vd_r[...]) + bias_r[...]

    h = 0.5 * h * (1.0 + lax.erf(h * 0.7071067811865476))

    mean = jnp.mean(h, axis=-1, keepdims=True)
    var = jnp.mean(h * h, axis=-1, keepdims=True) - mean * mean
    inv = lax.rsqrt(var + 1e-5)
    o_r[...] = (h - mean) * inv * g_r[...] + b_r[...]


def _tc_mlp_ln(fe, re_, tempo, dur, v_tempo, v_dur, bias,
               W_proj, ln_gamma, ln_beta):
    grid = (_B // _BLK,)
    row = lambda shp: pl.BlockSpec(shp, lambda i: (0, 0))
    blk = lambda w: pl.BlockSpec((_BLK, w), lambda i: (i, 0))
    return pl.pallas_call(
        _tc_body,
        grid=grid,
        in_specs=[
            blk(128), blk(128), blk(1), blk(1),
            row((1, 512)), row((1, 512)), row((1, 512)),
            row((320, 512)), row((1, 512)), row((1, 512)),
        ],
        out_specs=blk(512),
        out_shape=jax.ShapeDtypeStruct((_B, 512), jnp.float32),
    )(fe, re_, tempo, dur, v_tempo, v_dur, bias,
      W_proj, ln_gamma, ln_beta)


def kernel(mood, raga, taal, tempo, duration, mood_table, raga_table,
           taal_table, W_tempo, b_tempo, W_dur, b_dur, W_proj, b_proj,
           ln_gamma, ln_beta):
    mood = mood.astype(jnp.int32)
    raga = raga.astype(jnp.int32)
    taal = taal.astype(jnp.int32)
    fused_table = jnp.concatenate(
        [jnp.repeat(mood_table, _NTAAL, axis=0),
         jnp.tile(taal_table, (mood_table.shape[0], 1))], axis=1)
    fe, re_ = _sc_gather_embeddings(mood, raga, taal, fused_table, raga_table)
    w_tmp = W_proj[256:288, :]
    w_dur = W_proj[288:320, :]
    v_tempo = (W_tempo @ w_tmp).reshape(1, 512)
    v_dur = (W_dur @ w_dur).reshape(1, 512)
    bias = (b_proj + b_tempo @ w_tmp + b_dur @ w_dur).reshape(1, 512)
    return _tc_mlp_ln(
        fe, re_,
        tempo.reshape(_B, 1), duration.reshape(_B, 1),
        v_tempo, v_dur, bias,
        W_proj, ln_gamma.reshape(1, 512), ln_beta.reshape(1, 512))

# --- scband reference (transcript-rebuilt; emitter-appended) ---
"""Pipeline reference for scband-conditioning-module-82755429859950 (READ-ONLY COPY).

The authoritative reference and input builder live on the scoring server;
editing this copy changes nothing except your own understanding.
"""

import jax, jax.numpy as jnp
import numpy as np

B = 16384

def setup_inputs(seed: int = 0) -> dict:
    key = jax.random.key(seed)
    ks = jax.random.split(key, 12)
    mood = jax.random.randint(ks[0], (B,), 0, 16)
    raga = jax.random.randint(ks[1], (B,), 0, 1000)
    taal = jax.random.randint(ks[2], (B,), 0, 120)
    tempo = jax.random.uniform(ks[3], (B,), dtype=jnp.float32)
    duration = jax.random.uniform(ks[4], (B,), dtype=jnp.float32)
    mood_table = jax.random.normal(ks[5], (16, 64), dtype=jnp.float32) * 0.02
    raga_table = jax.random.normal(ks[6], (1000, 128), dtype=jnp.float32) * 0.02
    taal_table = jax.random.normal(ks[7], (120, 64), dtype=jnp.float32) * 0.02
    W_tempo = jax.random.normal(ks[8], (1, 32), dtype=jnp.float32) * 0.02
    b_tempo = jnp.zeros((32,), dtype=jnp.float32)
    W_dur = jax.random.normal(ks[9], (1, 32), dtype=jnp.float32) * 0.02
    b_dur = jnp.zeros((32,), dtype=jnp.float32)
    W_proj = jax.random.normal(ks[10], (320, 512), dtype=jnp.float32) * 0.02
    b_proj = jnp.zeros((512,), dtype=jnp.float32)
    ln_gamma = jnp.ones((512,), dtype=jnp.float32)
    ln_beta = jnp.zeros((512,), dtype=jnp.float32)
    return {"mood": mood, "raga": raga, "taal": taal, "tempo": tempo, "duration": duration,
            "mood_table": mood_table, "raga_table": raga_table, "taal_table": taal_table,
            "W_tempo": W_tempo, "b_tempo": b_tempo, "W_dur": W_dur, "b_dur": b_dur,
            "W_proj": W_proj, "b_proj": b_proj, "ln_gamma": ln_gamma, "ln_beta": ln_beta}

def reference(mood, raga, taal, tempo, duration, mood_table, raga_table, taal_table,
              W_tempo, b_tempo, W_dur, b_dur, W_proj, b_proj, ln_gamma, ln_beta):
    mood_emb = jnp.take(mood_table, mood, axis=0)
    raga_emb = jnp.take(raga_table, raga, axis=0)
    taal_emb = jnp.take(taal_table, taal, axis=0)
    tempo_emb = tempo[:, None].astype(jnp.float32) @ W_tempo + b_tempo
    duration_emb = duration[:, None].astype(jnp.float32) @ W_dur + b_dur
    combined = jnp.concatenate([mood_emb, raga_emb, taal_emb, tempo_emb, duration_emb], axis=-1)
    h = combined @ W_proj + b_proj
    h = jax.nn.gelu(h, approximate=False)
    mean = jnp.mean(h, axis=-1, keepdims=True)
    var = jnp.var(h, axis=-1, keepdims=True)
    out = (h - mean) / jnp.sqrt(var + 1e-5) * ln_gamma + ln_beta
    return out

if __name__ == "__main__":
    import jax
    _d = setup_inputs()
    print(jax.jit(kernel)(*tuple(_d.values())))

</pallas_src>

<mosaic_0001>
#map = affine_map<(d0, d1) -> (0)>
#map1 = affine_map<(d0, d1) -> (0, 0)>
module attributes {stable_mosaic.version = 14 : i64} {
  func.func @gather_kernel(%arg0: i32, %arg1: i32, %arg2: memref<16384xi32, #tpu.memory_space<hbm>>, %arg3: memref<16384xi32, #tpu.memory_space<hbm>>, %arg4: memref<16384xi32, #tpu.memory_space<hbm>>, %arg5: memref<1920x128xf32, #tpu.memory_space<hbm>>, %arg6: memref<1000x128xf32, #tpu.memory_space<hbm>>, %arg7: memref<16384x128xf32, #tpu.memory_space<hbm>>, %arg8: memref<16384x128xf32, #tpu.memory_space<hbm>>, %arg9: memref<512xi32, #tpu.memory_space<vmem>>, %arg10: memref<512xi32, #tpu.memory_space<vmem>>, %arg11: memref<512xi32, #tpu.memory_space<vmem>>, %arg12: memref<512xi32, #tpu.memory_space<vmem>>, %arg13: memref<2x128x128xf32, #tpu.memory_space<vmem>>, %arg14: memref<2x128x128xf32, #tpu.memory_space<vmem>>, %arg15: memref<!tpu.dma_semaphore, #tpu.memory_space<semaphore_mem>>, %arg16: memref<!tpu.dma_semaphore, #tpu.memory_space<semaphore_mem>>, %arg17: memref<!tpu.dma_semaphore, #tpu.memory_space<semaphore_mem>>, %arg18: memref<!tpu.dma_semaphore, #tpu.memory_space<semaphore_mem>>, %arg19: memref<!tpu.dma_semaphore, #tpu.memory_space<semaphore_mem>>, %arg20: memref<!tpu.dma_semaphore, #tpu.memory_space<semaphore_mem>>, %arg21: memref<!tpu.dma_semaphore, #tpu.memory_space<semaphore_mem>>, %arg22: memref<!tpu.dma_semaphore, #tpu.memory_space<semaphore_mem>>) attributes {dimension_semantics = [#tpu.dimension_semantics<core_parallel>, #tpu.dimension_semantics<subcore_parallel>], iteration_bounds = array<i64: 2, 16>, scalar_prefetch = 0 : i64, scratch_operands = 14 : i64, tpu.core_type = #tpu.core_type<sc_vector_subcore>, window_params = [{transform_indices = #map}, {transform_indices = #map}, {transform_indices = #map}, {transform_indices = #map1}, {transform_indices = #map1}, {transform_indices = #map1}, {transform_indices = #map1}]} {
    %mul3A = arith.constant 2 : i32
    %mul3A_0 = arith.muli %arg1, %mul3A : i32
    %add3A = arith.addi %mul3A_0, %arg0 : i32
    %mul3A_1 = arith.constant 512 : i32
    %mul3A_2 = arith.muli %add3A, %mul3A_1 : i32
    %dma_start3A = tpu.memref_slice %arg2[%mul3A_2] : memref<16384xi32, #tpu.memory_space<hbm>> -> memref<512xi32, #tpu.memory_space<hbm>>
    %dma_start3A_3 = tpu.memref_slice %arg2[%mul3A_2] : memref<16384xi32, #tpu.memory_space<hbm>> -> memref<512xi32, #tpu.memory_space<hbm>>
    tpu.enqueue_dma source(%dma_start3A_3 : memref<512xi32, #tpu.memory_space<hbm>>) target(%arg9 : memref<512xi32, #tpu.memory_space<vmem>>) target_semaphore(%arg15 : memref<!tpu.dma_semaphore, #tpu.memory_space<semaphore_mem>>)
    %dma_start3A_4 = tpu.memref_slice %arg4[%mul3A_2] : memref<16384xi32, #tpu.memory_space<hbm>> -> memref<512xi32, #tpu.memory_space<hbm>>
    %dma_start3A_5 = tpu.memref_slice %arg4[%mul3A_2] : memref<16384xi32, #tpu.memory_space<hbm>> -> memref<512xi32, #tpu.memory_space<hbm>>
    tpu.enqueue_dma source(%dma_start3A_5 : memref<512xi32, #tpu.memory_space<hbm>>) target(%arg10 : memref<512xi32, #tpu.memory_space<vmem>>) target_semaphore(%arg16 : memref<!tpu.dma_semaphore, #tpu.memory_space<semaphore_mem>>)
    %dma_start3A_6 = tpu.memref_slice %arg3[%mul3A_2] : memref<16384xi32, #tpu.memory_space<hbm>> -> memref<512xi32, #tpu.memory_space<hbm>>
    %dma_start3A_7 = tpu.memref_slice %arg3[%mul3A_2] : memref<16384xi32, #tpu.memory_space<hbm>> -> memref<512xi32, #tpu.memory_space<hbm>>
    tpu.enqueue_dma source(%dma_start3A_7 : memref<512xi32, #tpu.memory_space<hbm>>) target(%arg11 : memref<512xi32, #tpu.memory_space<vmem>>) target_semaphore(%arg17 : memref<!tpu.dma_semaphore, #tpu.memory_space<semaphore_mem>>)
    %dma_wait3A = tpu.memref_slice %arg2[%mul3A_2] : memref<16384xi32, #tpu.memory_space<hbm>> -> memref<512xi32, #tpu.memory_space<hbm>>
    %dma_wait3A_8 = tpu.memref_slice %arg2[%mul3A_2] : memref<16384xi32, #tpu.memory_space<hbm>> -> memref<512xi32, #tpu.memory_space<hbm>>
    tpu.wait_dma2 semaphore(%arg15 : memref<!tpu.dma_semaphore, #tpu.memory_space<semaphore_mem>>) src(%dma_wait3A_8 : memref<512xi32, #tpu.memory_space<hbm>>) dst(%arg9 : memref<512xi32, #tpu.memory_space<vmem>>)
    %dma_wait3A_9 = tpu.memref_slice %arg4[%mul3A_2] : memref<16384xi32, #tpu.memory_space<hbm>> -> memref<512xi32, #tpu.memory_space<hbm>>
    %dma_wait3A_10 = tpu.memref_slice %arg4[%mul3A_2] : memref<16384xi32, #tpu.memory_space<hbm>> -> memref<512xi32, #tpu.memory_space<hbm>>
    tpu.wait_dma2 semaphore(%arg16 : memref<!tpu.dma_semaphore, #tpu.memory_space<semaphore_mem>>) src(%dma_wait3A_10 : memref<512xi32, #tpu.memory_space<hbm>>) dst(%arg10 : memref<512xi32, #tpu.memory_space<vmem>>)
    %dma_wait3A_11 = tpu.memref_slice %arg3[%mul3A_2] : memref<16384xi32, #tpu.memory_space<hbm>> -> memref<512xi32, #tpu.memory_space<hbm>>
    %dma_wait3A_12 = tpu.memref_slice %arg3[%mul3A_2] : memref<16384xi32, #tpu.memory_space<hbm>> -> memref<512xi32, #tpu.memory_space<hbm>>
    tpu.wait_dma2 semaphore(%arg17 : memref<!tpu.dma_semaphore, #tpu.memory_space<semaphore_mem>>) src(%dma_wait3A_12 : memref<512xi32, #tpu.memory_space<hbm>>) dst(%arg11 : memref<512xi32, #tpu.memory_space<vmem>>)
    %scan3A = arith.constant 0 : i32
    %scan3A_13 = arith.constant 0 : i32
    %scan3A_14 = arith.constant 32 : i32
    %scan3A_15 = arith.addi %scan3A_13, %scan3A_14 : i32
    %scan3A_16 = arith.constant 1 : i32
    scf.for %scan3A_394 = %scan3A_13 to %scan3A_15 step %scan3A_16  : i32 {
      %mul3A_395 = arith.constant 16 : i32
      %mul3A_396 = arith.muli %scan3A_394, %mul3A_395 : i32
      %get3A = arith.index_cast %mul3A_396 : i32 to index
      %get3A_397 = tpu.vector_load %arg9[%get3A] {strides = array<i32>} : memref<512xi32, #tpu.memory_space<vmem>>, vector<16xi32>,
      %get3A_398 = vector.shape_cast %get3A_397 : vector<16xi32> to vector<16xi32>
      %mul3A_399 = arith.constant 120 : i32
      %mul3A_400 = vector.broadcast %mul3A_399 : i32 to vector<16xi32>
      %mul3A_401 = arith.muli %get3A_398, %mul3A_400 : vector<16xi32>
      %get3A_402 = arith.index_cast %mul3A_396 : i32 to index
      %get3A_403 = tpu.vector_load %arg10[%get3A_402] {strides = array<i32>} : memref<512xi32, #tpu.memory_space<vmem>>, vector<16xi32>,
      %get3A_404 = vector.shape_cast %get3A_403 : vector<16xi32> to vector<16xi32>
      %add3A_405 = arith.addi %mul3A_401, %get3A_404 : vector<16xi32>
      %swap3A = arith.index_cast %mul3A_396 : i32 to index
      %swap3A_406 = tpu.vector_load %arg12[%swap3A] {strides = array<i32>} : memref<512xi32, #tpu.memory_space<vmem>>, vector<16xi32>,
      %swap3A_407 = vector.shape_cast %swap3A_406 : vector<16xi32> to vector<16xi32>
      %swap3A_408 = vector.shape_cast %add3A_405 : vector<16xi32> to vector<16xi32>
      tpu.vector_store %arg12[%swap3A], %swap3A_408 {strides = array<i32>} : memref<512xi32, #tpu.memory_space<vmem>>, vector<16xi32>,
    }
    %scan3A_17 = arith.constant 32 : i32
    %dma_start3A_18 = arith.constant 0 : i32
    %dma_start3A_19 = arith.constant 0 : i32
    %dma_start3A_20 = arith.constant 0 : i32
    %dma_start3A_21 = tpu.memref_slice %arg13[%dma_start3A_18, %dma_start3A_19, %dma_start3A_20] : memref<2x128x128xf32, #tpu.memory_space<vmem>> -> memref<1x128x128xf32, #tpu.memory_space<vmem>>
    %dma_start3A_22 = tpu.memref_squeeze %dma_start3A_21 : memref<1x128x128xf32, #tpu.memory_space<vmem>> -> memref<128x128xf32, #tpu.memory_space<vmem>>
    %dma_start3A_23 = arith.constant 0 : i32
    %dma_start3A_24 = tpu.memref_slice %arg12[%dma_start3A_23] : memref<512xi32, #tpu.memory_space<vmem>> -> memref<128xi32, #tpu.memory_space<vmem>>
    %dma_start3A_25 = arith.constant 0 : i32
    %dma_start3A_26 = arith.constant 0 : i32
    %dma_start3A_27 = tpu.memref_slice %arg5[%dma_start3A_25, %dma_start3A_26] : memref<1920x128xf32, #tpu.memory_space<hbm>> -> memref<1920x128xf32, #tpu.memory_space<hbm>>
    tpu.enqueue_indirect_dma source(%dma_start3A_27 : memref<1920x128xf32, #tpu.memory_space<hbm>>) target(%dma_start3A_22 : memref<128x128xf32, #tpu.memory_space<vmem>>) offsets(%dma_start3A_24 : memref<128xi32, #tpu.memory_space<vmem>>) semaphore(%arg15 : memref<!tpu.dma_semaphore, #tpu.memory_space<semaphore_mem>>)
    %dma_start3A_28 = arith.constant 0 : i32
    %dma_start3A_29 = arith.constant 0 : i32
    %dma_start3A_30 = arith.constant 0 : i32
    %dma_start3A_31 = tpu.memref_slice %arg14[%dma_start3A_28, %dma_start3A_29, %dma_start3A_30] : memref<2x128x128xf32, #tpu.memory_space<vmem>> -> memref<1x128x128xf32, #tpu.memory_space<vmem>>
    %dma_start3A_32 = tpu.memref_squeeze %dma_start3A_31 : memref<1x128x128xf32, #tpu.memory_space<vmem>> -> memref<128x128xf32, #tpu.memory_space<vmem>>
    %dma_start3A_33 = arith.constant 0 : i32
    %dma_start3A_34 = tpu.memref_slice %arg11[%dma_start3A_33] : memref<512xi32, #tpu.memory_space<vmem>> -> memref<128xi32, #tpu.memory_space<vmem>>
    %dma_start3A_35 = arith.constant 0 : i32
    %dma_start3A_36 = arith.constant 0 : i32
    %dma_start3A_37 = tpu.memref_slice %arg6[%dma_start3A_35, %dma_start3A_36] : memref<1000x128xf32, #tpu.memory_space<hbm>> -> memref<1000x128xf32, #tpu.memory_space<hbm>>
    tpu.enqueue_indirect_dma source(%dma_start3A_37 : memref<1000x128xf32, #tpu.memory_space<hbm>>) target(%dma_start3A_32 : memref<128x128xf32, #tpu.memory_space<vmem>>) offsets(%dma_start3A_34 : memref<128xi32, #tpu.memory_space<vmem>>) semaphore(%arg17 : memref<!tpu.dma_semaphore, #tpu.memory_space<semaphore_mem>>)
    %dma_start3A_38 = arith.constant 1 : i32
    %dma_start3A_39 = arith.constant 0 : i32
    %dma_start3A_40 = arith.constant 0 : i32
    %dma_start3A_41 = tpu.memref_slice %arg13[%dma_start3A_38, %dma_start3A_39, %dma_start3A_40] : memref<2x128x128xf32, #tpu.memory_space<vmem>> -> memref<1x128x128xf32, #tpu.memory_space<vmem>>
    %dma_start3A_42 = tpu.memref_squeeze %dma_start3A_41 : memref<1x128x128xf32, #tpu.memory_space<vmem>> -> memref<128x128xf32, #tpu.memory_space<vmem>>
    %dma_start3A_43 = arith.constant 128 : i32
    %dma_start3A_44 = tpu.memref_slice %arg12[%dma_start3A_43] : memref<512xi32, #tpu.memory_space<vmem>> -> memref<128xi32, #tpu.memory_space<vmem>>
    %dma_start3A_45 = arith.constant 0 : i32
    %dma_start3A_46 = arith.constant 0 : i32
    %dma_start3A_47 = tpu.memref_slice %arg5[%dma_start3A_45, %dma_start3A_46] : memref<1920x128xf32, #tpu.memory_space<hbm>> -> memref<1920x128xf32, #tpu.memory_space<hbm>>
    tpu.enqueue_indirect_dma source(%dma_start3A_47 : memref<1920x128xf32, #tpu.memory_space<hbm>>) target(%dma_start3A_42 : memref<128x128xf32, #tpu.memory_space<vmem>>) offsets(%dma_start3A_44 : memref<128xi32, #tpu.memory_space<vmem>>) semaphore(%arg16 : memref<!tpu.dma_semaphore, #tpu.memory_space<semaphore_mem>>)
    %dma_start3A_48 = arith.constant 1 : i32
    %dma_start3A_49 = arith.constant 0 : i32
    %dma_start3A_50 = arith.constant 0 : i32
    %dma_start3A_51 = tpu.memref_slice %arg14[%dma_start3A_48, %dma_start3A_49, %dma_start3A_50] : memref<2x128x128xf32, #tpu.memory_space<vmem>> -> memref<1x128x128xf32, #tpu.memory_space<vmem>>
    %dma_start3A_52 = tpu.memref_squeeze %dma_start3A_51 : memref<1x128x128xf32, #tpu.memory_space<vmem>> -> memref<128x128xf32, #tpu.memory_space<vmem>>
    %dma_start3A_53 = arith.constant 128 : i32
    %dma_start3A_54 = tpu.memref_slice %arg11[%dma_start3A_53] : memref<512xi32, #tpu.memory_space<vmem>> -> memref<128xi32, #tpu.memory_space<vmem>>
    %dma_start3A_55 = arith.constant 0 : i32
    %dma_start3A_56 = arith.constant 0 : i32
    %dma_start3A_57 = tpu.memref_slice %arg6[%dma_start3A_55, %dma_start3A_56] : memref<1000x128xf32, #tpu.memory_space<hbm>> -> memref<1000x128xf32, #tpu.memory_space<hbm>>
    tpu.enqueue_indirect_dma source(%dma_start3A_57 : memref<1000x128xf32, #tpu.memory_space<hbm>>) target(%dma_start3A_52 : memref<128x128xf32, #tpu.memory_space<vmem>>) offsets(%dma_start3A_54 : memref<128xi32, #tpu.memory_space<vmem>>) semaphore(%arg18 : memref<!tpu.dma_semaphore, #tpu.memory_space<semaphore_mem>>)
    %dma_wait3A_58 = arith.constant 0 : i32
    %dma_wait3A_59 = arith.constant 0 : i32
    %dma_wait3A_60 = arith.constant 0 : i32
    %dma_wait3A_61 = tpu.memref_slice %arg13[%dma_wait3A_58, %dma_wait3A_59, %dma_wait3A_60] : memref<2x128x128xf32, #tpu.memory_space<vmem>> -> memref<1x128x128xf32, #tpu.memory_space<vmem>>
    %dma_wait3A_62 = tpu.memref_squeeze %dma_wait3A_61 : memref<1x128x128xf32, #tpu.memory_space<vmem>> -> memref<128x128xf32, #tpu.memory_space<vmem>>
    %dma_wait3A_63 = arith.constant 0 : i32
    %dma_wait3A_64 = tpu.memref_slice %arg12[%dma_wait3A_63] : memref<512xi32, #tpu.memory_space<vmem>> -> memref<128xi32, #tpu.memory_space<vmem>>
    %dma_wait3A_65 = arith.constant 0 : i32
    %dma_wait3A_66 = arith.constant 0 : i32
    %dma_wait3A_67 = tpu.memref_slice %arg5[%dma_wait3A_65, %dma_wait3A_66] : memref<1920x128xf32, #tpu.memory_space<hbm>> -> memref<1920x128xf32, #tpu.memory_space<hbm>>
    tpu.wait_indirect_dma semaphore(%arg15 : memref<!tpu.dma_semaphore, #tpu.memory_space<semaphore_mem>>) src(%dma_wait3A_67 : memref<1920x128xf32, #tpu.memory_space<hbm>>) dst(%dma_wait3A_62 : memref<128x128xf32, #tpu.memory_space<vmem>>)
    %dma_wait3A_68 = arith.constant 0 : i32
    %dma_wait3A_69 = arith.constant 0 : i32
    %dma_wait3A_70 = arith.constant 0 : i32
    %dma_wait3A_71 = tpu.memref_slice %arg14[%dma_wait3A_68, %dma_wait3A_69, %dma_wait3A_70] : memref<2x128x128xf32, #tpu.memory_space<vmem>> -> memref<1x128x128xf32, #tpu.memory_space<vmem>>
    %dma_wait3A_72 = tpu.memref_squeeze %dma_wait3A_71 : memref<1x128x128xf32, #tpu.memory_space<vmem>> -> memref<128x128xf32, #tpu.memory_space<vmem>>
    %dma_wait3A_73 = arith.constant 0 : i32
    %dma_wait3A_74 = tpu.memref_slice %arg11[%dma_wait3A_73] : memref<512xi32, #tpu.memory_space<vmem>> -> memref<128xi32, #tpu.memory_space<vmem>>
    %dma_wait3A_75 = arith.constant 0 : i32
    %dma_wait3A_76 = arith.constant 0 : i32
    %dma_wait3A_77 = tpu.memref_slice %arg6[%dma_wait3A_75, %dma_wait3A_76] : memref<1000x128xf32, #tpu.memory_space<hbm>> -> memref<1000x128xf32, #tpu.memory_space<hbm>>
    tpu.wait_indirect_dma semaphore(%arg17 : memref<!tpu.dma_semaphore, #tpu.memory_space<semaphore_mem>>) src(%dma_wait3A_77 : memref<1000x128xf32, #tpu.memory_space<hbm>>) dst(%dma_wait3A_72 : memref<128x128xf32, #tpu.memory_space<vmem>>)
    %add3A_78 = arith.constant 0 : i32
    %add3A_79 = arith.addi %mul3A_2, %add3A_78 : i32
    %dma_start3A_80 = arith.constant 0 : i32
    %dma_start3A_81 = arith.constant 0 : i32
    %dma_start3A_82 = arith.constant 0 : i32
    %dma_start3A_83 = tpu.memref_slice %arg13[%dma_start3A_80, %dma_start3A_81, %dma_start3A_82] : memref<2x128x128xf32, #tpu.memory_space<vmem>> -> memref<1x128x128xf32, #tpu.memory_space<vmem>>
    %dma_start3A_84 = tpu.memref_squeeze %dma_start3A_83 : memref<1x128x128xf32, #tpu.memory_space<vmem>> -> memref<128x128xf32, #tpu.memory_space<vmem>>
    %dma_start3A_85 = arith.constant 0 : i32
    %dma_start3A_86 = tpu.memref_slice %arg7[%add3A_79, %dma_start3A_85] : memref<16384x128xf32, #tpu.memory_space<hbm>> -> memref<128x128xf32, #tpu.memory_space<hbm>>
    %dma_start3A_87 = arith.constant 0 : i32
    %dma_start3A_88 = tpu.memref_slice %arg7[%add3A_79, %dma_start3A_87] : memref<16384x128xf32, #tpu.memory_space<hbm>> -> memref<128x128xf32, #tpu.memory_space<hbm>>
    %dma_start3A_89 = arith.constant 0 : i32
    %dma_start3A_90 = arith.constant 0 : i32
    %dma_start3A_91 = tpu.memref_slice %arg13[%dma_start3A_80, %dma_start3A_89, %dma_start3A_90] : memref<2x128x128xf32, #tpu.memory_space<vmem>> -> memref<1x128x128xf32, #tpu.memory_space<vmem>>
    %dma_start3A_92 = tpu.memref_squeeze %dma_start3A_91 : memref<1x128x128xf32, #tpu.memory_space<vmem>> -> memref<128x128xf32, #tpu.memory_space<vmem>>
    tpu.enqueue_dma source(%dma_start3A_92 : memref<128x128xf32, #tpu.memory_space<vmem>>) target(%dma_start3A_88 : memref<128x128xf32, #tpu.memory_space<hbm>>) target_semaphore(%arg19 : memref<!tpu.dma_semaphore, #tpu.memory_space<semaphore_mem>>)
    %dma_start3A_93 = arith.constant 0 : i32
    %dma_start3A_94 = arith.constant 0 : i32
    %dma_start3A_95 = arith.constant 0 : i32
    %dma_start3A_96 = tpu.memref_slice %arg14[%dma_start3A_93, %dma_start3A_94, %dma_start3A_95] : memref<2x128x128xf32, #tpu.memory_space<vmem>> -> memref<1x128x128xf32, #tpu.memory_space<vmem>>
    %dma_start3A_97 = tpu.memref_squeeze %dma_start3A_96 : memref<1x128x128xf32, #tpu.memory_space<vmem>> -> memref<128x128xf32, #tpu.memory_space<vmem>>
    %dma_start3A_98 = arith.constant 0 : i32
    %dma_start3A_99 = tpu.memref_slice %arg8[%add3A_79, %dma_start3A_98] : memref<16384x128xf32, #tpu.memory_space<hbm>> -> memref<128x128xf32, #tpu.memory_space<hbm>>
    %dma_start3A_100 = arith.constant 0 : i32
    %dma_start3A_101 = tpu.memref_slice %arg8[%add3A_79, %dma_start3A_100] : memref<16384x128xf32, #tpu.memory_space<hbm>> -> memref<128x128xf32, #tpu.memory_space<hbm>>
    %dma_start3A_102 = arith.constant 0 : i32
    %dma_start3A_103 = arith.constant 0 : i32
    %dma_start3A_104 = tpu.memref_slice %arg14[%dma_start3A_93, %dma_start3A_102, %dma_start3A_103] : memref<2x128x128xf32, #tpu.memory_space<vmem>> -> memref<1x128x128xf32, #tpu.memory_space<vmem>>
    %dma_start3A_105 = tpu.memref_squeeze %dma_start3A_104 : memref<1x128x128xf32, #tpu.memory_space<vmem>> -> memref<128x128xf32, #tpu.memory_space<vmem>>
    tpu.enqueue_dma source(%dma_start3A_105 : memref<128x128xf32, #tpu.memory_space<vmem>>) target(%dma_start3A_101 : memref<128x128xf32, #tpu.memory_space<hbm>>) target_semaphore(%arg21 : memref<!tpu.dma_semaphore, #tpu.memory_space<semaphore_mem>>)
    %dma_wait3A_106 = arith.constant 0 : i32
    %dma_wait3A_107 = arith.constant 0 : i32
    %dma_wait3A_108 = arith.constant 0 : i32
    %dma_wait3A_109 = tpu.memref_slice %arg13[%dma_wait3A_106, %dma_wait3A_107, %dma_wait3A_108] : memref<2x128x128xf32, #tpu.memory_space<vmem>> -> memref<1x128x128xf32, #tpu.memory_space<vmem>>
    %dma_wait3A_110 = tpu.memref_squeeze %dma_wait3A_109 : memref<1x128x128xf32, #tpu.memory_space<vmem>> -> memref<128x128xf32, #tpu.memory_space<vmem>>
    %dma_wait3A_111 = arith.constant 0 : i32
    %dma_wait3A_112 = tpu.memref_slice %arg7[%add3A_79, %dma_wait3A_111] : memref<16384x128xf32, #tpu.memory_space<hbm>> -> memref<128x128xf32, #tpu.memory_space<hbm>>
    %dma_wait3A_113 = arith.constant 0 : i32
    %dma_wait3A_114 = tpu.memref_slice %arg7[%add3A_79, %dma_wait3A_113] : memref<16384x128xf32, #tpu.memory_space<hbm>> -> memref<128x128xf32, #tpu.memory_space<hbm>>
    %dma_wait3A_115 = arith.constant 0 : i32
    %dma_wait3A_116 = arith.constant 0 : i32
    %dma_wait3A_117 = tpu.memref_slice %arg13[%dma_wait3A_106, %dma_wait3A_115, %dma_wait3A_116] : memref<2x128x128xf32, #tpu.memory_space<vmem>> -> memref<1x128x128xf32, #tpu.memory_space<vmem>>
    %dma_wait3A_118 = tpu.memref_squeeze %dma_wait3A_117 : memref<1x128x128xf32, #tpu.memory_space<vmem>> -> memref<128x128xf32, #tpu.memory_space<vmem>>
    tpu.wait_dma2 semaphore(%arg19 : memref<!tpu.dma_semaphore, #tpu.memory_space<semaphore_mem>>) src(%dma_wait3A_118 : memref<128x128xf32, #tpu.memory_space<vmem>>) dst(%dma_wait3A_114 : memref<128x128xf32, #tpu.memory_space<hbm>>)
    %dma_wait3A_119 = arith.constant 0 : i32
    %dma_wait3A_120 = arith.constant 0 : i32
    %dma_wait3A_121 = arith.constant 0 : i32
    %dma_wait3A_122 = tpu.memref_slice %arg14[%dma_wait3A_119, %dma_wait3A_120, %dma_wait3A_121] : memref<2x128x128xf32, #tpu.memory_space<vmem>> -> memref<1x128x128xf32, #tpu.memory_space<vmem>>
    %dma_wait3A_123 = tpu.memref_squeeze %dma_wait3A_122 : memref<1x128x128xf32, #tpu.memory_space<vmem>> -> memref<128x128xf32, #tpu.memory_space<vmem>>
    %dma_wait3A_124 = arith.constant 0 : i32
    %dma_wait3A_125 = tpu.memref_slice %arg8[%add3A_79, %dma_wait3A_124] : memref<16384x128xf32, #tpu.memory_space<hbm>> -> memref<128x128xf32, #tpu.memory_space<hbm>>
    %dma_wait3A_126 = arith.constant 0 : i32
    %dma_wait3A_127 = tpu.memref_slice %arg8[%add3A_79, %dma_wait3A_126] : memref<16384x128xf32, #tpu.memory_space<hbm>> -> memref<128x128xf32, #tpu.memory_space<hbm>>
    %dma_wait3A_128 = arith.constant 0 : i32
    %dma_wait3A_129 = arith.constant 0 : i32
    %dma_wait3A_130 = tpu.memref_slice %arg14[%dma_wait3A_119, %dma_wait3A_128, %dma_wait3A_129] : memref<2x128x128xf32, #tpu.memory_space<vmem>> -> memref<1x128x128xf32, #tpu.memory_space<vmem>>
    %dma_wait3A_131 = tpu.memref_squeeze %dma_wait3A_130 : memref<1x128x128xf32, #tpu.memory_space<vmem>> -> memref<128x128xf32, #tpu.memory_space<vmem>>
    tpu.wait_dma2 semaphore(%arg21 : memref<!tpu.dma_semaphore, #tpu.memory_space<semaphore_mem>>) src(%dma_wait3A_131 : memref<128x128xf32, #tpu.memory_space<vmem>>) dst(%dma_wait3A_127 : memref<128x128xf32, #tpu.memory_space<hbm>>)
    %dma_start3A_132 = arith.constant 0 : i32
    %dma_start3A_133 = arith.constant 0 : i32
    %dma_start3A_134 = arith.constant 0 : i32
    %dma_start3A_135 = tpu.memref_slice %arg13[%dma_start3A_132, %dma_start3A_133, %dma_start3A_134] : memref<2x128x128xf32, #tpu.memory_space<vmem>> -> memref<1x128x128xf32, #tpu.memory_space<vmem>>
    %dma_start3A_136 = tpu.memref_squeeze %dma_start3A_135 : memref<1x128x128xf32, #tpu.memory_space<vmem>> -> memref<128x128xf32, #tpu.memory_space<vmem>>
    %dma_start3A_137 = arith.constant 256 : i32
    %dma_start3A_138 = tpu.memref_slice %arg12[%dma_start3A_137] : memref<512xi32, #tpu.memory_space<vmem>> -> memref<128xi32, #tpu.memory_space<vmem>>
    %dma_start3A_139 = arith.constant 0 : i32
    %dma_start3A_140 = arith.constant 0 : i32
    %dma_start3A_141 = tpu.memref_slice %arg5[%dma_start3A_139, %dma_start3A_140] : memref<1920x128xf32, #tpu.memory_space<hbm>> -> memref<1920x128xf32, #tpu.memory_space<hbm>>
    tpu.enqueue_indirect_dma source(%dma_start3A_141 : memref<1920x128xf32, #tpu.memory_space<hbm>>) target(%dma_start3A_136 : memref<128x128xf32, #tpu.memory_space<vmem>>) offsets(%dma_start3A_138 : memref<128xi32, #tpu.memory_space<vmem>>) semaphore(%arg15 : memref<!tpu.dma_semaphore, #tpu.memory_space<semaphore_mem>>)
    %dma_start3A_142 = arith.constant 0 : i32
    %dma_start3A_143 = arith.constant 0 : i32
    %dma_start3A_144 = arith.constant 0 : i32
    %dma_start3A_145 = tpu.memref_slice %arg14[%dma_start3A_142, %dma_start3A_143, %dma_start3A_144] : memref<2x128x128xf32, #tpu.memory_space<vmem>> -> memref<1x128x128xf32, #tpu.memory_space<vmem>>
    %dma_start3A_146 = tpu.memref_squeeze %dma_start3A_145 : memref<1x128x128xf32, #tpu.memory_space<vmem>> -> memref<128x128xf32, #tpu.memory_space<vmem>>
    %dma_start3A_147 = arith.constant 256 : i32
    %dma_start3A_148 = tpu.memref_slice %arg11[%dma_start3A_147] : memref<512xi32, #tpu.memory_space<vmem>> -> memref<128xi32, #tpu.memory_space<vmem>>
    %dma_start3A_149 = arith.constant 0 : i32
    %dma_start3A_150 = arith.constant 0 : i32
    %dma_start3A_151 = tpu.memref_slice %arg6[%dma_start3A_149, %dma_start3A_150] : memref<1000x128xf32, #tpu.memory_space<hbm>> -> memref<1000x128xf32, #tpu.memory_space<hbm>>
    tpu.enqueue_indirect_dma source(%dma_start3A_151 : memref<1000x128xf32, #tpu.memory_space<hbm>>) target(%dma_start3A_146 : memref<128x128xf32, #tpu.memory_space<vmem>>) offsets(%dma_start3A_148 : memref<128xi32, #tpu.memory_space<vmem>>) semaphore(%arg17 : memref<!tpu.dma_semaphore, #tpu.memory_space<semaphore_mem>>)
    %dma_wait3A_152 = arith.constant 1 : i32
    %dma_wait3A_153 = arith.constant 0 : i32
    %dma_wait3A_154 = arith.constant 0 : i32
    %dma_wait3A_155 = tpu.memref_slice %arg13[%dma_wait3A_152, %dma_wait3A_153, %dma_wait3A_154] : memref<2x128x128xf32, #tpu.memory_space<vmem>> -> memref<1x128x128xf32, #tpu.memory_space<vmem>>
    %dma_wait3A_156 = tpu.memref_squeeze %dma_wait3A_155 : memref<1x128x128xf32, #tpu.memory_space<vmem>> -> memref<128x128xf32, #tpu.memory_space<vmem>>
    %dma_wait3A_157 = arith.constant 128 : i32
    %dma_wait3A_158 = tpu.memref_slice %arg12[%dma_wait3A_157] : memref<512xi32, #tpu.memory_space<vmem>> -> memref<128xi32, #tpu.memory_space<vmem>>
    %dma_wait3A_159 = arith.constant 0 : i32
    %dma_wait3A_160 = arith.constant 0 : i32
    %dma_wait3A_161 = tpu.memref_slice %arg5[%dma_wait3A_159, %dma_wait3A_160] : memref<1920x128xf32, #tpu.memory_space<hbm>> -> memref<1920x128xf32, #tpu.memory_space<hbm>>
    tpu.wait_indirect_dma semaphore(%arg16 : memref<!tpu.dma_semaphore, #tpu.memory_space<semaphore_mem>>) src(%dma_wait3A_161 : memref<1920x128xf32, #tpu.memory_space<hbm>>) dst(%dma_wait3A_156 : memref<128x128xf32, #tpu.memory_space<vmem>>)
    %dma_wait3A_162 = arith.constant 1 : i32
    %dma_wait3A_163 = arith.constant 0 : i32
    %dma_wait3A_164 = arith.constant 0 : i32
    %dma_wait3A_165 = tpu.memref_slice %arg14[%dma_wait3A_162, %dma_wait3A_163, %dma_wait3A_164] : memref<2x128x128xf32, #tpu.memory_space<vmem>> -> memref<1x128x128xf32, #tpu.memory_space<vmem>>
    %dma_wait3A_166 = tpu.memref_squeeze %dma_wait3A_165 : memref<1x128x128xf32, #tpu.memory_space<vmem>> -> memref<128x128xf32, #tpu.memory_space<vmem>>
    %dma_wait3A_167 = arith.constant 128 : i32
    %dma_wait3A_168 = tpu.memref_slice %arg11[%dma_wait3A_167] : memref<512xi32, #tpu.memory_space<vmem>> -> memref<128xi32, #tpu.memory_space<vmem>>
    %dma_wait3A_169 = arith.constant 0 : i32
    %dma_wait3A_170 = arith.constant 0 : i32
    %dma_wait3A_171 = tpu.memref_slice %arg6[%dma_wait3A_169, %dma_wait3A_170] : memref<1000x128xf32, #tpu.memory_space<hbm>> -> memref<1000x128xf32, #tpu.memory_space<hbm>>
    tpu.wait_indirect_dma semaphore(%arg18 : memref<!tpu.dma_semaphore, #tpu.memory_space<semaphore_mem>>) src(%dma_wait3A_171 : memref<1000x128xf32, #tpu.memory_space<hbm>>) dst(%dma_wait3A_166 : memref<128x128xf32, #tpu.memory_space<vmem>>)
    %add3A_172 = arith.constant 128 : i32
    %add3A_173 = arith.addi %mul3A_2, %add3A_172 : i32
    %dma_start3A_174 = arith.constant 1 : i32
    %dma_start3A_175 = arith.constant 0 : i32
    %dma_start3A_176 = arith.constant 0 : i32
    %dma_start3A_177 = tpu.memref_slice %arg13[%dma_start3A_174, %dma_start3A_175, %dma_start3A_176] : memref<2x128x128xf32, #tpu.memory_space<vmem>> -> memref<1x128x128xf32, #tpu.memory_space<vmem>>
    %dma_start3A_178 = tpu.memref_squeeze %dma_start3A_177 : memref<1x128x128xf32, #tpu.memory_space<vmem>> -> memref<128x128xf32, #tpu.memory_space<vmem>>
    %dma_start3A_179 = arith.constant 0 : i32
    %dma_start3A_180 = tpu.memref_slice %arg7[%add3A_173, %dma_start3A_179] : memref<16384x128xf32, #tpu.memory_space<hbm>> -> memref<128x128xf32, #tpu.memory_space<hbm>>
    %dma_start3A_181 = arith.constant 0 : i32
    %dma_start3A_182 = tpu.memref_slice %arg7[%add3A_173, %dma_start3A_181] : memref<16384x128xf32, #tpu.memory_space<hbm>> -> memref<128x128xf32, #tpu.memory_space<hbm>>
    %dma_start3A_183 = arith.constant 0 : i32
    %dma_start3A_184 = arith.constant 0 : i32
    %dma_start3A_185 = tpu.memref_slice %arg13[%dma_start3A_174, %dma_start3A_183, %dma_start3A_184] : memref<2x128x128xf32, #tpu.memory_space<vmem>> -> memref<1x128x128xf32, #tpu.memory_space<vmem>>
    %dma_start3A_186 = tpu.memref_squeeze %dma_start3A_185 : memref<1x128x128xf32, #tpu.memory_space<vmem>> -> memref<128x128xf32, #tpu.memory_space<vmem>>
    tpu.enqueue_dma source(%dma_start3A_186 : memref<128x128xf32, #tpu.memory_space<vmem>>) target(%dma_start3A_182 : memref<128x128xf32, #tpu.memory_space<hbm>>) target_semaphore(%arg20 : memref<!tpu.dma_semaphore, #tpu.memory_space<semaphore_mem>>)
    %dma_start3A_187 = arith.constant 1 : i32
    %dma_start3A_188 = arith.constant 0 : i32
    %dma_start3A_189 = arith.constant 0 : i32
    %dma_start3A_190 = tpu.memref_slice %arg14[%dma_start3A_187, %dma_start3A_188, %dma_start3A_189] : memref<2x128x128xf32, #tpu.memory_space<vmem>> -> memref<1x128x128xf32, #tpu.memory_space<vmem>>
    %dma_start3A_191 = tpu.memref_squeeze %dma_start3A_190 : memref<1x128x128xf32, #tpu.memory_space<vmem>> -> memref<128x128xf32, #tpu.memory_space<vmem>>
    %dma_start3A_192 = arith.constant 0 : i32
    %dma_start3A_193 = tpu.memref_slice %arg8[%add3A_173, %dma_start3A_192] : memref<16384x128xf32, #tpu.memory_space<hbm>> -> memref<128x128xf32, #tpu.memory_space<hbm>>
    %dma_start3A_194 = arith.constant 0 : i32
    %dma_start3A_195 = tpu.memref_slice %arg8[%add3A_173, %dma_start3A_194] : memref<16384x128xf32, #tpu.memory_space<hbm>> -> memref<128x128xf32, #tpu.memory_space<hbm>>
    %dma_start3A_196 = arith.constant 0 : i32
    %dma_start3A_197 = arith.constant 0 : i32
    %dma_start3A_198 = tpu.memref_slice %arg14[%dma_start3A_187, %dma_start3A_196, %dma_start3A_197] : memref<2x128x128xf32, #tpu.memory_space<vmem>> -> memref<1x128x128xf32, #tpu.memory_space<vmem>>
    %dma_start3A_199 = tpu.memref_squeeze %dma_start3A_198 : memref<1x128x128xf32, #tpu.memory_space<vmem>> -> memref<128x128xf32, #tpu.memory_space<vmem>>
    tpu.enqueue_dma source(%dma_start3A_199 : memref<128x128xf32, #tpu.memory_space<vmem>>) target(%dma_start3A_195 : memref<128x128xf32, #tpu.memory_space<hbm>>) target_semaphore(%arg22 : memref<!tpu.dma_semaphore, #tpu.memory_space<semaphore_mem>>)
    %dma_wait3A_200 = arith.constant 1 : i32
    %dma_wait3A_201 = arith.constant 0 : i32
    %dma_wait3A_202 = arith.constant 0 : i32
    %dma_wait3A_203 = tpu.memref_slice %arg13[%dma_wait3A_200, %dma_wait3A_201, %dma_wait3A_202] : memref<2x128x128xf32, #tpu.memory_space<vmem>> -> memref<1x128x128xf32, #tpu.memory_space<vmem>>
    %dma_wait3A_204 = tpu.memref_squeeze %dma_wait3A_203 : memref<1x128x128xf32, #tpu.memory_space<vmem>> -> memref<128x128xf32, #tpu.memory_space<vmem>>
    %dma_wait3A_205 = arith.constant 0 : i32
    %dma_wait3A_206 = tpu.memref_slice %arg7[%add3A_173, %dma_wait3A_205] : memref<16384x128xf32, #tpu.memory_space<hbm>> -> memref<128x128xf32, #tpu.memory_space<hbm>>
    %dma_wait3A_207 = arith.constant 0 : i32
    %dma_wait3A_208 = tpu.memref_slice %arg7[%add3A_173, %dma_wait3A_207] : memref<16384x128xf32, #tpu.memory_space<hbm>> -> memref<128x128xf32, #tpu.memory_space<hbm>>
    %dma_wait3A_209 = arith.constant 0 : i32
    %dma_wait3A_210 = arith.constant 0 : i32
    %dma_wait3A_211 = tpu.memref_slice %arg13[%dma_wait3A_200, %dma_wait3A_209, %dma_wait3A_210] : memref<2x128x128xf32, #tpu.memory_space<vmem>> -> memref<1x128x128xf32, #tpu.memory_space<vmem>>
    %dma_wait3A_212 = tpu.memref_squeeze %dma_wait3A_211 : memref<1x128x128xf32, #tpu.memory_space<vmem>> -> memref<128x128xf32, #tpu.memory_space<vmem>>
    tpu.wait_dma2 semaphore(%arg20 : memref<!tpu.dma_semaphore, #tpu.memory_space<semaphore_mem>>) src(%dma_wait3A_212 : memref<128x128xf32, #tpu.memory_space<vmem>>) dst(%dma_wait3A_208 : memref<128x128xf32, #tpu.memory_space<hbm>>)
    %dma_wait3A_213 = arith.constant 1 : i32
    %dma_wait3A_214 = arith.constant 0 : i32
    %dma_wait3A_215 = arith.constant 0 : i32
    %dma_wait3A_216 = tpu.memref_slice %arg14[%dma_wait3A_213, %dma_wait3A_214, %dma_wait3A_215] : memref<2x128x128xf32, #tpu.memory_space<vmem>> -> memref<1x128x128xf32, #tpu.memory_space<vmem>>
    %dma_wait3A_217 = tpu.memref_squeeze %dma_wait3A_216 : memref<1x128x128xf32, #tpu.memory_space<vmem>> -> memref<128x128xf32, #tpu.memory_space<vmem>>
    %dma_wait3A_218 = arith.constant 0 : i32
    %dma_wait3A_219 = tpu.memref_slice %arg8[%add3A_173, %dma_wait3A_218] : memref<16384x128xf32, #tpu.memory_space<hbm>> -> memref<128x128xf32, #tpu.memory_space<hbm>>
    %dma_wait3A_220 = arith.constant 0 : i32
    %dma_wait3A_221 = tpu.memref_slice %arg8[%add3A_173, %dma_wait3A_220] : memref<16384x128xf32, #tpu.memory_space<hbm>> -> memref<128x128xf32, #tpu.memory_space<hbm>>
    %dma_wait3A_222 = arith.constant 0 : i32
    %dma_wait3A_223 = arith.constant 0 : i32
    %dma_wait3A_224 = tpu.memref_slice %arg14[%dma_wait3A_213, %dma_wait3A_222, %dma_wait3A_223] : memref<2x128x128xf32, #tpu.memory_space<vmem>> -> memref<1x128x128xf32, #tpu.memory_space<vmem>>
    %dma_wait3A_225 = tpu.memref_squeeze %dma_wait3A_224 : memref<1x128x128xf32, #tpu.memory_space<vmem>> -> memref<128x128xf32, #tpu.memory_space<vmem>>
    tpu.wait_dma2 semaphore(%arg22 : memref<!tpu.dma_semaphore, #tpu.memory_space<semaphore_mem>>) src(%dma_wait3A_225 : memref<128x128xf32, #tpu.memory_space<vmem>>) dst(%dma_wait3A_221 : memref<128x128xf32, #tpu.memory_space<hbm>>)
    %dma_start3A_226 = arith.constant 1 : i32
    %dma_start3A_227 = arith.constant 0 : i32
    %dma_start3A_228 = arith.constant 0 : i32
    %dma_start3A_229 = tpu.memref_slice %arg13[%dma_start3A_226, %dma_start3A_227, %dma_start3A_228] : memref<2x128x128xf32, #tpu.memory_space<vmem>> -> memref<1x128x128xf32, #tpu.memory_space<vmem>>
    %dma_start3A_230 = tpu.memref_squeeze %dma_start3A_229 : memref<1x128x128xf32, #tpu.memory_space<vmem>> -> memref<128x128xf32, #tpu.memory_space<vmem>>
    %dma_start3A_231 = arith.constant 384 : i32
    %dma_start3A_232 = tpu.memref_slice %arg12[%dma_start3A_231] : memref<512xi32, #tpu.memory_space<vmem>> -> memref<128xi32, #tpu.memory_space<vmem>>
    %dma_start3A_233 = arith.constant 0 : i32
    %dma_start3A_234 = arith.constant 0 : i32
    %dma_start3A_235 = tpu.memref_slice %arg5[%dma_start3A_233, %dma_start3A_234] : memref<1920x128xf32, #tpu.memory_space<hbm>> -> memref<1920x128xf32, #tpu.memory_space<hbm>>
    tpu.enqueue_indirect_dma source(%dma_start3A_235 : memref<1920x128xf32, #tpu.memory_space<hbm>>) target(%dma_start3A_230 : memref<128x128xf32, #tpu.memory_space<vmem>>) offsets(%dma_start3A_232 : memref<128xi32, #tpu.memory_space<vmem>>) semaphore(%arg16 : memref<!tpu.dma_semaphore, #tpu.memory_space<semaphore_mem>>)
    %dma_start3A_236 = arith.constant 1 : i32
    %dma_start3A_237 = arith.constant 0 : i32
    %dma_start3A_238 = arith.constant 0 : i32
    %dma_start3A_239 = tpu.memref_slice %arg14[%dma_start3A_236, %dma_start3A_237, %dma_start3A_238] : memref<2x128x128xf32, #tpu.memory_space<vmem>> -> memref<1x128x128xf32, #tpu.memory_space<vmem>>
    %dma_start3A_240 = tpu.memref_squeeze %dma_start3A_239 : memref<1x128x128xf32, #tpu.memory_space<vmem>> -> memref<128x128xf32, #tpu.memory_space<vmem>>
    %dma_start3A_241 = arith.constant 384 : i32
    %dma_start3A_242 = tpu.memref_slice %arg11[%dma_start3A_241] : memref<512xi32, #tpu.memory_space<vmem>> -> memref<128xi32, #tpu.memory_space<vmem>>
    %dma_start3A_243 = arith.constant 0 : i32
    %dma_start3A_244 = arith.constant 0 : i32
    %dma_start3A_245 = tpu.memref_slice %arg6[%dma_start3A_243, %dma_start3A_244] : memref<1000x128xf32, #tpu.memory_space<hbm>> -> memref<1000x128xf32, #tpu.memory_space<hbm>>
    tpu.enqueue_indirect_dma source(%dma_start3A_245 : memref<1000x128xf32, #tpu.memory_space<hbm>>) target(%dma_start3A_240 : memref<128x128xf32, #tpu.memory_space<vmem>>) offsets(%dma_start3A_242 : memref<128xi32, #tpu.memory_space<vmem>>) semaphore(%arg18 : memref<!tpu.dma_semaphore, #tpu.memory_space<semaphore_mem>>)
    %dma_wait3A_246 = arith.constant 0 : i32
    %dma_wait3A_247 = arith.constant 0 : i32
    %dma_wait3A_248 = arith.constant 0 : i32
    %dma_wait3A_249 = tpu.memref_slice %arg13[%dma_wait3A_246, %dma_wait3A_247, %dma_wait3A_248] : memref<2x128x128xf32, #tpu.memory_space<vmem>> -> memref<1x128x128xf32, #tpu.memory_space<vmem>>
    %dma_wait3A_250 = tpu.memref_squeeze %dma_wait3A_249 : memref<1x128x128xf32, #tpu.memory_space<vmem>> -> memref<128x128xf32, #tpu.memory_space<vmem>>
    %dma_wait3A_251 = arith.constant 256 : i32
    %dma_wait3A_252 = tpu.memref_slice %arg12[%dma_wait3A_251] : memref<512xi32, #tpu.memory_space<vmem>> -> memref<128xi32, #tpu.memory_space<vmem>>
    %dma_wait3A_253 = arith.constant 0 : i32
    %dma_wait3A_254 = arith.constant 0 : i32
    %dma_wait3A_255 = tpu.memref_slice %arg5[%dma_wait3A_253, %dma_wait3A_254] : memref<1920x128xf32, #tpu.memory_space<hbm>> -> memref<1920x128xf32, #tpu.memory_space<hbm>>
    tpu.wait_indirect_dma semaphore(%arg15 : memref<!tpu.dma_semaphore, #tpu.memory_space<semaphore_mem>>) src(%dma_wait3A_255 : memref<1920x128xf32, #tpu.memory_space<hbm>>) dst(%dma_wait3A_250 : memref<128x128xf32, #tpu.memory_space<vmem>>)
    %dma_wait3A_256 = arith.constant 0 : i32
    %dma_wait3A_257 = arith.constant 0 : i32
    %dma_wait3A_258 = arith.constant 0 : i32
    %dma_wait3A_259 = tpu.memref_slice %arg14[%dma_wait3A_256, %dma_wait3A_257, %dma_wait3A_258] : memref<2x128x128xf32, #tpu.memory_space<vmem>> -> memref<1x128x128xf32, #tpu.memory_space<vmem>>
    %dma_wait3A_260 = tpu.memref_squeeze %dma_wait3A_259 : memref<1x128x128xf32, #tpu.memory_space<vmem>> -> memref<128x128xf32, #tpu.memory_space<vmem>>
    %dma_wait3A_261 = arith.constant 256 : i32
    %dma_wait3A_262 = tpu.memref_slice %arg11[%dma_wait3A_261] : memref<512xi32, #tpu.memory_space<vmem>> -> memref<128xi32, #tpu.memory_space<vmem>>
    %dma_wait3A_263 = arith.constant 0 : i32
    %dma_wait3A_264 = arith.constant 0 : i32
    %dma_wait3A_265 = tpu.memref_slice %arg6[%dma_wait3A_263, %dma_wait3A_264] : memref<1000x128xf32, #tpu.memory_space<hbm>> -> memref<1000x128xf32, #tpu.memory_space<hbm>>
    tpu.wait_indirect_dma semaphore(%arg17 : memref<!tpu.dma_semaphore, #tpu.memory_space<semaphore_mem>>) src(%dma_wait3A_265 : memref<1000x128xf32, #tpu.memory_space<hbm>>) dst(%dma_wait3A_260 : memref<128x128xf32, #tpu.memory_space<vmem>>)
    %add3A_266 = arith.constant 256 : i32
    %add3A_267 = arith.addi %mul3A_2, %add3A_266 : i32
    %dma_start3A_268 = arith.constant 0 : i32
    %dma_start3A_269 = arith.constant 0 : i32
    %dma_start3A_270 = arith.constant 0 : i32
    %dma_start3A_271 = tpu.memref_slice %arg13[%dma_start3A_268, %dma_start3A_269, %dma_start3A_270] : memref<2x128x128xf32, #tpu.memory_space<vmem>> -> memref<1x128x128xf32, #tpu.memory_space<vmem>>
    %dma_start3A_272 = tpu.memref_squeeze %dma_start3A_271 : memref<1x128x128xf32, #tpu.memory_space<vmem>> -> memref<128x128xf32, #tpu.memory_space<vmem>>
    %dma_start3A_273 = arith.constant 0 : i32
    %dma_start3A_274 = tpu.memref_slice %arg7[%add3A_267, %dma_start3A_273] : memref<16384x128xf32, #tpu.memory_space<hbm>> -> memref<128x128xf32, #tpu.memory_space<hbm>>
    %dma_start3A_275 = arith.constant 0 : i32
    %dma_start3A_276 = tpu.memref_slice %arg7[%add3A_267, %dma_start3A_275] : memref<16384x128xf32, #tpu.memory_space<hbm>> -> memref<128x128xf32, #tpu.memory_space<hbm>>
    %dma_start3A_277 = arith.constant 0 : i32
    %dma_start3A_278 = arith.constant 0 : i32
    %dma_start3A_279 = tpu.memref_slice %arg13[%dma_start3A_268, %dma_start3A_277, %dma_start3A_278] : memref<2x128x128xf32, #tpu.memory_space<vmem>> -> memref<1x128x128xf32, #tpu.memory_space<vmem>>
    %dma_start3A_280 = tpu.memref_squeeze %dma_start3A_279 : memref<1x128x128xf32, #tpu.memory_space<vmem>> -> memref<128x128xf32, #tpu.memory_space<vmem>>
    tpu.enqueue_dma source(%dma_start3A_280 : memref<128x128xf32, #tpu.memory_space<vmem>>) target(%dma_start3A_276 : memref<128x128xf32, #tpu.memory_space<hbm>>) target_semaphore(%arg19 : memref<!tpu.dma_semaphore, #tpu.memory_space<semaphore_mem>>)
    %dma_start3A_281 = arith.constant 0 : i32
    %dma_start3A_282 = arith.constant 0 : i32
    %dma_start3A_283 = arith.constant 0 : i32
    %dma_start3A_284 = tpu.memref_slice %arg14[%dma_start3A_281, %dma_start3A_282, %dma_start3A_283] : memref<2x128x128xf32, #tpu.memory_space<vmem>> -> memref<1x128x128xf32, #tpu.memory_space<vmem>>
    %dma_start3A_285 = tpu.memref_squeeze %dma_start3A_284 : memref<1x128x128xf32, #tpu.memory_space<vmem>> -> memref<128x128xf32, #tpu.memory_space<vmem>>
    %dma_start3A_286 = arith.constant 0 : i32
    %dma_start3A_287 = tpu.memref_slice %arg8[%add3A_267, %dma_start3A_286] : memref<16384x128xf32, #tpu.memory_space<hbm>> -> memref<128x128xf32, #tpu.memory_space<hbm>>
    %dma_start3A_288 = arith.constant 0 : i32
    %dma_start3A_289 = tpu.memref_slice %arg8[%add3A_267, %dma_start3A_288] : memref<16384x128xf32, #tpu.memory_space<hbm>> -> memref<128x128xf32, #tpu.memory_space<hbm>>
    %dma_start3A_290 = arith.constant 0 : i32
    %dma_start3A_291 = arith.constant 0 : i32
    %dma_start3A_292 = tpu.memref_slice %arg14[%dma_start3A_281, %dma_start3A_290, %dma_start3A_291] : memref<2x128x128xf32, #tpu.memory_space<vmem>> -> memref<1x128x128xf32, #tpu.memory_space<vmem>>
    %dma_start3A_293 = tpu.memref_squeeze %dma_start3A_292 : memref<1x128x128xf32, #tpu.memory_space<vmem>> -> memref<128x128xf32, #tpu.memory_space<vmem>>
    tpu.enqueue_dma source(%dma_start3A_293 : memref<128x128xf32, #tpu.memory_space<vmem>>) target(%dma_start3A_289 : memref<128x128xf32, #tpu.memory_space<hbm>>) target_semaphore(%arg21 : memref<!tpu.dma_semaphore, #tpu.memory_space<semaphore_mem>>)
    %dma_wait3A_294 = arith.constant 1 : i32
    %dma_wait3A_295 = arith.constant 0 : i32
    %dma_wait3A_296 = arith.constant 0 : i32
    %dma_wait3A_297 = tpu.memref_slice %arg13[%dma_wait3A_294, %dma_wait3A_295, %dma_wait3A_296] : memref<2x128x128xf32, #tpu.memory_space<vmem>> -> memref<1x128x128xf32, #tpu.memory_space<vmem>>
    %dma_wait3A_298 = tpu.memref_squeeze %dma_wait3A_297 : memref<1x128x128xf32, #tpu.memory_space<vmem>> -> memref<128x128xf32, #tpu.memory_space<vmem>>
    %dma_wait3A_299 = arith.constant 384 : i32
    %dma_wait3A_300 = tpu.memref_slice %arg12[%dma_wait3A_299] : memref<512xi32, #tpu.memory_space<vmem>> -> memref<128xi32, #tpu.memory_space<vmem>>
    %dma_wait3A_301 = arith.constant 0 : i32
    %dma_wait3A_302 = arith.constant 0 : i32
    %dma_wait3A_303 = tpu.memref_slice %arg5[%dma_wait3A_301, %dma_wait3A_302] : memref<1920x128xf32, #tpu.memory_space<hbm>> -> memref<1920x128xf32, #tpu.memory_space<hbm>>
    tpu.wait_indirect_dma semaphore(%arg16 : memref<!tpu.dma_semaphore, #tpu.memory_space<semaphore_mem>>) src(%dma_wait3A_303 : memref<1920x128xf32, #tpu.memory_space<hbm>>) dst(%dma_wait3A_298 : memref<128x128xf32, #tpu.memory_space<vmem>>)
    %dma_wait3A_304 = arith.constant 1 : i32
    %dma_wait3A_305 = arith.constant 0 : i32
    %dma_wait3A_306 = arith.constant 0 : i32
    %dma_wait3A_307 = tpu.memref_slice %arg14[%dma_wait3A_304, %dma_wait3A_305, %dma_wait3A_306] : memref<2x128x128xf32, #tpu.memory_space<vmem>> -> memref<1x128x128xf32, #tpu.memory_space<vmem>>
    %dma_wait3A_308 = tpu.memref_squeeze %dma_wait3A_307 : memref<1x128x128xf32, #tpu.memory_space<vmem>> -> memref<128x128xf32, #tpu.memory_space<vmem>>
    %dma_wait3A_309 = arith.constant 384 : i32
    %dma_wait3A_310 = tpu.memref_slice %arg11[%dma_wait3A_309] : memref<512xi32, #tpu.memory_space<vmem>> -> memref<128xi32, #tpu.memory_space<vmem>>
    %dma_wait3A_311 = arith.constant 0 : i32
    %dma_wait3A_312 = arith.constant 0 : i32
    %dma_wait3A_313 = tpu.memref_slice %arg6[%dma_wait3A_311, %dma_wait3A_312] : memref<1000x128xf32, #tpu.memory_space<hbm>> -> memref<1000x128xf32, #tpu.memory_space<hbm>>
    tpu.wait_indirect_dma semaphore(%arg18 : memref<!tpu.dma_semaphore, #tpu.memory_space<semaphore_mem>>) src(%dma_wait3A_313 : memref<1000x128xf32, #tpu.memory_space<hbm>>) dst(%dma_wait3A_308 : memref<128x128xf32, #tpu.memory_space<vmem>>)
    %add3A_314 = arith.constant 384 : i32
    %add3A_315 = arith.addi %mul3A_2, %add3A_314 : i32
    %dma_start3A_316 = arith.constant 1 : i32
    %dma_start3A_317 = arith.constant 0 : i32
    %dma_start3A_318 = arith.constant 0 : i32
    %dma_start3A_319 = tpu.memref_slice %arg13[%dma_start3A_316, %dma_start3A_317, %dma_start3A_318] : memref<2x128x128xf32, #tpu.memory_space<vmem>> -> memref<1x128x128xf32, #tpu.memory_space<vmem>>
    %dma_start3A_320 = tpu.memref_squeeze %dma_start3A_319 : memref<1x128x128xf32, #tpu.memory_space<vmem>> -> memref<128x128xf32, #tpu.memory_space<vmem>>
    %dma_start3A_321 = arith.constant 0 : i32
    %dma_start3A_322 = tpu.memref_slice %arg7[%add3A_315, %dma_start3A_321] : memref<16384x128xf32, #tpu.memory_space<hbm>> -> memref<128x128xf32, #tpu.memory_space<hbm>>
    %dma_start3A_323 = arith.constant 0 : i32
    %dma_start3A_324 = tpu.memref_slice %arg7[%add3A_315, %dma_start3A_323] : memref<16384x128xf32, #tpu.memory_space<hbm>> -> memref<128x128xf32, #tpu.memory_space<hbm>>
    %dma_start3A_325 = arith.constant 0 : i32
    %dma_start3A_326 = arith.constant 0 : i32
    %dma_start3A_327 = tpu.memref_slice %arg13[%dma_start3A_316, %dma_start3A_325, %dma_start3A_326] : memref<2x128x128xf32, #tpu.memory_space<vmem>> -> memref<1x128x128xf32, #tpu.memory_space<vmem>>
    %dma_start3A_328 = tpu.memref_squeeze %dma_start3A_327 : memref<1x128x128xf32, #tpu.memory_space<vmem>> -> memref<128x128xf32, #tpu.memory_space<vmem>>
    tpu.enqueue_dma source(%dma_start3A_328 : memref<128x128xf32, #tpu.memory_space<vmem>>) target(%dma_start3A_324 : memref<128x128xf32, #tpu.memory_space<hbm>>) target_semaphore(%arg20 : memref<!tpu.dma_semaphore, #tpu.memory_space<semaphore_mem>>)
    %dma_start3A_329 = arith.constant 1 : i32
    %dma_start3A_330 = arith.constant 0 : i32
    %dma_start3A_331 = arith.constant 0 : i32
    %dma_start3A_332 = tpu.memref_slice %arg14[%dma_start3A_329, %dma_start3A_330, %dma_start3A_331] : memref<2x128x128xf32, #tpu.memory_space<vmem>> -> memref<1x128x128xf32, #tpu.memory_space<vmem>>
    %dma_start3A_333 = tpu.memref_squeeze %dma_start3A_332 : memref<1x128x128xf32, #tpu.memory_space<vmem>> -> memref<128x128xf32, #tpu.memory_space<vmem>>
    %dma_start3A_334 = arith.constant 0 : i32
    %dma_start3A_335 = tpu.memref_slice %arg8[%add3A_315, %dma_start3A_334] : memref<16384x128xf32, #tpu.memory_space<hbm>> -> memref<128x128xf32, #tpu.memory_space<hbm>>
    %dma_start3A_336 = arith.constant 0 : i32
    %dma_start3A_337 = tpu.memref_slice %arg8[%add3A_315, %dma_start3A_336] : memref<16384x128xf32, #tpu.memory_space<hbm>> -> memref<128x128xf32, #tpu.memory_space<hbm>>
    %dma_start3A_338 = arith.constant 0 : i32
    %dma_start3A_339 = arith.constant 0 : i32
    %dma_start3A_340 = tpu.memref_slice %arg14[%dma_start3A_329, %dma_start3A_338, %dma_start3A_339] : memref<2x128x128xf32, #tpu.memory_space<vmem>> -> memref<1x128x128xf32, #tpu.memory_space<vmem>>
    %dma_start3A_341 = tpu.memref_squeeze %dma_start3A_340 : memref<1x128x128xf32, #tpu.memory_space<vmem>> -> memref<128x128xf32, #tpu.memory_space<vmem>>
    tpu.enqueue_dma source(%dma_start3A_341 : memref<128x128xf32, #tpu.memory_space<vmem>>) target(%dma_start3A_337 : memref<128x128xf32, #tpu.memory_space<hbm>>) target_semaphore(%arg22 : memref<!tpu.dma_semaphore, #tpu.memory_space<semaphore_mem>>)
    %dma_wait3A_342 = arith.constant 0 : i32
    %dma_wait3A_343 = arith.constant 0 : i32
    %dma_wait3A_344 = arith.constant 0 : i32
    %dma_wait3A_345 = tpu.memref_slice %arg13[%dma_wait3A_342, %dma_wait3A_343, %dma_wait3A_344] : memref<2x128x128xf32, #tpu.memory_space<vmem>> -> memref<1x128x128xf32, #tpu.memory_space<vmem>>
    %dma_wait3A_346 = tpu.memref_squeeze %dma_wait3A_345 : memref<1x128x128xf32, #tpu.memory_space<vmem>> -> memref<128x128xf32, #tpu.memory_space<vmem>>
    %dma_wait3A_347 = arith.constant 0 : i32
    %dma_wait3A_348 = tpu.memref_slice %arg7[%add3A_267, %dma_wait3A_347] : memref<16384x128xf32, #tpu.memory_space<hbm>> -> memref<128x128xf32, #tpu.memory_space<hbm>>
    %dma_wait3A_349 = arith.constant 0 : i32
    %dma_wait3A_350 = tpu.memref_slice %arg7[%add3A_267, %dma_wait3A_349] : memref<16384x128xf32, #tpu.memory_space<hbm>> -> memref<128x128xf32, #tpu.memory_space<hbm>>
    %dma_wait3A_351 = arith.constant 0 : i32
    %dma_wait3A_352 = arith.constant 0 : i32
    %dma_wait3A_353 = tpu.memref_slice %arg13[%dma_wait3A_342, %dma_wait3A_351, %dma_wait3A_352] : memref<2x128x128xf32, #tpu.memory_space<vmem>> -> memref<1x128x128xf32, #tpu.memory_space<vmem>>
    %dma_wait3A_354 = tpu.memref_squeeze %dma_wait3A_353 : memref<1x128x128xf32, #tpu.memory_space<vmem>> -> memref<128x128xf32, #tpu.memory_space<vmem>>
    tpu.wait_dma2 semaphore(%arg19 : memref<!tpu.dma_semaphore, #tpu.memory_space<semaphore_mem>>) src(%dma_wait3A_354 : memref<128x128xf32, #tpu.memory_space<vmem>>) dst(%dma_wait3A_350 : memref<128x128xf32, #tpu.memory_space<hbm>>)
    %dma_wait3A_355 = arith.constant 0 : i32
    %dma_wait3A_356 = arith.constant 0 : i32
    %dma_wait3A_357 = arith.constant 0 : i32
    %dma_wait3A_358 = tpu.memref_slice %arg14[%dma_wait3A_355, %dma_wait3A_356, %dma_wait3A_357] : memref<2x128x128xf32, #tpu.memory_space<vmem>> -> memref<1x128x128xf32, #tpu.memory_space<vmem>>
    %dma_wait3A_359 = tpu.memref_squeeze %dma_wait3A_358 : memref<1x128x128xf32, #tpu.memory_space<vmem>> -> memref<128x128xf32, #tpu.memory_space<vmem>>
    %dma_wait3A_360 = arith.constant 0 : i32
    %dma_wait3A_361 = tpu.memref_slice %arg8[%add3A_267, %dma_wait3A_360] : memref<16384x128xf32, #tpu.memory_space<hbm>> -> memref<128x128xf32, #tpu.memory_space<hbm>>
    %dma_wait3A_362 = arith.constant 0 : i32
    %dma_wait3A_363 = tpu.memref_slice %arg8[%add3A_267, %dma_wait3A_362] : memref<16384x128xf32, #tpu.memory_space<hbm>> -> memref<128x128xf32, #tpu.memory_space<hbm>>
    %dma_wait3A_364 = arith.constant 0 : i32
    %dma_wait3A_365 = arith.constant 0 : i32
    %dma_wait3A_366 = tpu.memref_slice %arg14[%dma_wait3A_355, %dma_wait3A_364, %dma_wait3A_365] : memref<2x128x128xf32, #tpu.memory_space<vmem>> -> memref<1x128x128xf32, #tpu.memory_space<vmem>>
    %dma_wait3A_367 = tpu.memref_squeeze %dma_wait3A_366 : memref<1x128x128xf32, #tpu.memory_space<vmem>> -> memref<128x128xf32, #tpu.memory_space<vmem>>
    tpu.wait_dma2 semaphore(%arg21 : memref<!tpu.dma_semaphore, #tpu.memory_space<semaphore_mem>>) src(%dma_wait3A_367 : memref<128x128xf32, #tpu.memory_space<vmem>>) dst(%dma_wait3A_363 : memref<128x128xf32, #tpu.memory_space<hbm>>)
    %dma_wait3A_368 = arith.constant 1 : i32
    %dma_wait3A_369 = arith.constant 0 : i32
    %dma_wait3A_370 = arith.constant 0 : i32
    %dma_wait3A_371 = tpu.memref_slice %arg13[%dma_wait3A_368, %dma_wait3A_369, %dma_wait3A_370] : memref<2x128x128xf32, #tpu.memory_space<vmem>> -> memref<1x128x128xf32, #tpu.memory_space<vmem>>
    %dma_wait3A_372 = tpu.memref_squeeze %dma_wait3A_371 : memref<1x128x128xf32, #tpu.memory_space<vmem>> -> memref<128x128xf32, #tpu.memory_space<vmem>>
    %dma_wait3A_373 = arith.constant 0 : i32
    %dma_wait3A_374 = tpu.memref_slice %arg7[%add3A_315, %dma_wait3A_373] : memref<16384x128xf32, #tpu.memory_space<hbm>> -> memref<128x128xf32, #tpu.memory_space<hbm>>
    %dma_wait3A_375 = arith.constant 0 : i32
    %dma_wait3A_376 = tpu.memref_slice %arg7[%add3A_315, %dma_wait3A_375] : memref<16384x128xf32, #tpu.memory_space<hbm>> -> memref<128x128xf32, #tpu.memory_space<hbm>>
    %dma_wait3A_377 = arith.constant 0 : i32
    %dma_wait3A_378 = arith.constant 0 : i32
    %dma_wait3A_379 = tpu.memref_slice %arg13[%dma_wait3A_368, %dma_wait3A_377, %dma_wait3A_378] : memref<2x128x128xf32, #tpu.memory_space<vmem>> -> memref<1x128x128xf32, #tpu.memory_space<vmem>>
    %dma_wait3A_380 = tpu.memref_squeeze %dma_wait3A_379 : memref<1x128x128xf32, #tpu.memory_space<vmem>> -> memref<128x128xf32, #tpu.memory_space<vmem>>
    tpu.wait_dma2 semaphore(%arg20 : memref<!tpu.dma_semaphore, #tpu.memory_space<semaphore_mem>>) src(%dma_wait3A_380 : memref<128x128xf32, #tpu.memory_space<vmem>>) dst(%dma_wait3A_376 : memref<128x128xf32, #tpu.memory_space<hbm>>)
    %dma_wait3A_381 = arith.constant 1 : i32
    %dma_wait3A_382 = arith.constant 0 : i32
    %dma_wait3A_383 = arith.constant 0 : i32
    %dma_wait3A_384 = tpu.memref_slice %arg14[%dma_wait3A_381, %dma_wait3A_382, %dma_wait3A_383] : memref<2x128x128xf32, #tpu.memory_space<vmem>> -> memref<1x128x128xf32, #tpu.memory_space<vmem>>
    %dma_wait3A_385 = tpu.memref_squeeze %dma_wait3A_384 : memref<1x128x128xf32, #tpu.memory_space<vmem>> -> memref<128x128xf32, #tpu.memory_space<vmem>>
    %dma_wait3A_386 = arith.constant 0 : i32
    %dma_wait3A_387 = tpu.memref_slice %arg8[%add3A_315, %dma_wait3A_386] : memref<16384x128xf32, #tpu.memory_space<hbm>> -> memref<128x128xf32, #tpu.memory_space<hbm>>
    %dma_wait3A_388 = arith.constant 0 : i32
    %dma_wait3A_389 = tpu.memref_slice %arg8[%add3A_315, %dma_wait3A_388] : memref<16384x128xf32, #tpu.memory_space<hbm>> -> memref<128x128xf32, #tpu.memory_space<hbm>>
    %dma_wait3A_390 = arith.constant 0 : i32
    %dma_wait3A_391 = arith.constant 0 : i32
    %dma_wait3A_392 = tpu.memref_slice %arg14[%dma_wait3A_381, %dma_wait3A_390, %dma_wait3A_391] : memref<2x128x128xf32, #tpu.memory_space<vmem>> -> memref<1x128x128xf32, #tpu.memory_space<vmem>>
    %dma_wait3A_393 = tpu.memref_squeeze %dma_wait3A_392 : memref<1x128x128xf32, #tpu.memory_space<vmem>> -> memref<128x128xf32, #tpu.memory_space<vmem>>
    tpu.wait_dma2 semaphore(%arg22 : memref<!tpu.dma_semaphore, #tpu.memory_space<semaphore_mem>>) src(%dma_wait3A_393 : memref<128x128xf32, #tpu.memory_space<vmem>>) dst(%dma_wait3A_389 : memref<128x128xf32, #tpu.memory_space<hbm>>)
    return
  }
}

module attributes {stable_mosaic.version = 14 : i64} {
  func.func @_tc_body(%arg0: i32, %arg1: memref<2048x128xf32, #tpu.memory_space<vmem>>, %arg2: memref<2048x128xf32, #tpu.memory_space<vmem>>, %arg3: memref<2048x1xf32, #tpu.memory_space<vmem>>, %arg4: memref<2048x1xf32, #tpu.memory_space<vmem>>, %arg5: memref<1x512xf32, #tpu.memory_space<vmem>>, %arg6: memref<1x512xf32, #tpu.memory_space<vmem>>, %arg7: memref<1x512xf32, #tpu.memory_space<vmem>>, %arg8: memref<320x512xf32, #tpu.memory_space<vmem>>, %arg9: memref<1x512xf32, #tpu.memory_space<vmem>>, %arg10: memref<1x512xf32, #tpu.memory_space<vmem>>, %arg11: memref<2048x512xf32, #tpu.memory_space<vmem>>) attributes {dimension_semantics = [#tpu.dimension_semantics<arbitrary>], iteration_bounds = array<i64: 8>, scalar_prefetch = 0 : i64, scratch_operands = 0 : i64, tpu.core_type = #tpu.core_type<tc>, window_params = [{transform_indices = @transform_0, window_bounds = array<i64: 2048, 128>}, {transform_indices = @transform_1, window_bounds = array<i64: 2048, 128>}, {transform_indices = @transform_2, window_bounds = array<i64: 2048, 1>}, {transform_indices = @transform_3, window_bounds = array<i64: 2048, 1>}, {pipeline_mode = #tpu.pipeline_mode<synchronous>, transform_indices = @transform_4, window_bounds = array<i64: 1, 512>}, {pipeline_mode = #tpu.pipeline_mode<synchronous>, transform_indices = @transform_5, window_bounds = array<i64: 1, 512>}, {pipeline_mode = #tpu.pipeline_mode<synchronous>, transform_indices = @transform_6, window_bounds = array<i64: 1, 512>}, {pipeline_mode = #tpu.pipeline_mode<synchronous>, transform_indices = @transform_7, window_bounds = array<i64: 320, 512>}, {pipeline_mode = #tpu.pipeline_mode<synchronous>, transform_indices = @transform_8, window_bounds = array<i64: 1, 512>}, {pipeline_mode = #tpu.pipeline_mode<synchronous>, transform_indices = @transform_9, window_bounds = array<i64: 1, 512>}, {transform_indices = @transform_10, window_bounds = array<i64: 2048, 512>}]} {
    %get3A = arith.constant 0 : index
    %get3A_0 = arith.constant 0 : index
    %get3A_1 = vector.load %arg8[%get3A, %get3A_0] : memref<320x512xf32, #tpu.memory_space<vmem>>, vector<64x512xf32>
    %get3A_2 = arith.constant 192 : index
    %get3A_3 = arith.constant 0 : index
    %get3A_4 = vector.load %arg8[%get3A_2, %get3A_3] : memref<320x512xf32, #tpu.memory_space<vmem>>, vector<64x512xf32>
    %concatenate3A = tpu.concatenate %get3A_1, %get3A_4 in 0 : vector<64x512xf32>, vector<64x512xf32> -> vector<128x512xf32>
    %convert_element_type3A = arith.truncf %concatenate3A : vector<128x512xf32> to vector<128x512xbf16>
    %get3A_5 = arith.constant 64 : index
    %get3A_6 = arith.constant 0 : index
    %get3A_7 = vector.load %arg8[%get3A_5, %get3A_6] : memref<320x512xf32, #tpu.memory_space<vmem>>, vector<128x512xf32>
    %convert_element_type3A_8 = arith.truncf %get3A_7 : vector<128x512xf32> to vector<128x512xbf16>
    %get3A_9 = arith.constant 0 : index
    %get3A_10 = arith.constant 0 : index
    %get3A_11 = vector.load %arg1[%get3A_9, %get3A_10] : memref<2048x128xf32, #tpu.memory_space<vmem>>, vector<2048x128xf32>
    %convert_element_type3A_12 = arith.truncf %get3A_11 : vector<2048x128xf32> to vector<2048x128xbf16>
    %dot_general3A = arith.constant dense<0.000000e+00> : vector<2048x512xf32>
    %dot_general3A_13 = tpu.matmul %convert_element_type3A_12, %convert_element_type3A, %dot_general3A {dimension_numbers = #tpu.dot_dimension_numbers<[1], [0], [0], [1], [0, 0, 1, 1], [], []>, transpose_lhs_hint = false} : vector<2048x128xbf16>, vector<128x512xbf16>, vector<2048x512xf32> -> vector<2048x512xf32>
    %get3A_14 = arith.constant 0 : index
    %get3A_15 = arith.constant 0 : index
    %get3A_16 = vector.load %arg2[%get3A_14, %get3A_15] : memref<2048x128xf32, #tpu.memory_space<vmem>>, vector<2048x128xf32>
    %convert_element_type3A_17 = arith.truncf %get3A_16 : vector<2048x128xf32> to vector<2048x128xbf16>
    %dot_general3A_18 = arith.constant dense<0.000000e+00> : vector<2048x512xf32>
    %dot_general3A_19 = tpu.matmul %convert_element_type3A_17, %convert_element_type3A_8, %dot_general3A_18 {dimension_numbers = #tpu.dot_dimension_numbers<[1], [0], [0], [1], [0, 0, 1, 1], [], []>, transpose_lhs_hint = false} : vector<2048x128xbf16>, vector<128x512xbf16>, vector<2048x512xf32> -> vector<2048x512xf32>
    %add3A = arith.addf %dot_general3A_13, %dot_general3A_19 : vector<2048x512xf32>
    %get3A_20 = arith.constant 0 : index
    %get3A_21 = arith.constant 0 : index
    %get3A_22 = vector.load %arg3[%get3A_20, %get3A_21] : memref<2048x1xf32, #tpu.memory_space<vmem>>, vector<2048x1xf32>
    %get3A_23 = arith.constant 0 : index
    %get3A_24 = arith.constant 0 : index
    %get3A_25 = vector.load %arg5[%get3A_23, %get3A_24] : memref<1x512xf32, #tpu.memory_space<vmem>>, vector<1x512xf32>
    %mul3A = vector.broadcast %get3A_22 : vector<2048x1xf32> to vector<2048x512xf32>
    %mul3A_26 = vector.broadcast %get3A_25 : vector<1x512xf32> to vector<2048x512xf32>
    %mul3A_27 = arith.mulf %mul3A, %mul3A_26 : vector<2048x512xf32>
    %get3A_28 = arith.constant 0 : index
    %get3A_29 = arith.constant 0 : index
    %get3A_30 = vector.load %arg4[%get3A_28, %get3A_29] : memref<2048x1xf32, #tpu.memory_space<vmem>>, vector<2048x1xf32>
    %get3A_31 = arith.constant 0 : index
    %get3A_32 = arith.constant 0 : index
    %get3A_33 = vector.load %arg6[%get3A_31, %get3A_32] : memref<1x512xf32, #tpu.memory_space<vmem>>, vector<1x512xf32>
    %mul3A_34 = vector.broadcast %get3A_30 : vector<2048x1xf32> to vector<2048x512xf32>
    %mul3A_35 = vector.broadcast %get3A_33 : vector<1x512xf32> to vector<2048x512xf32>
    %mul3A_36 = arith.mulf %mul3A_34, %mul3A_35 : vector<2048x512xf32>
    %add3A_37 = arith.addf %mul3A_27, %mul3A_36 : vector<2048x512xf32>
    %get3A_38 = arith.constant 0 : index
    %get3A_39 = arith.constant 0 : index
    %get3A_40 = vector.load %arg7[%get3A_38, %get3A_39] : memref<1x512xf32, #tpu.memory_space<vmem>>, vector<1x512xf32>
    %add3A_41 = vector.broadcast %get3A_40 : vector<1x512xf32> to vector<2048x512xf32>
    %add3A_42 = arith.addf %add3A_37, %add3A_41 : vector<2048x512xf32>
    %add3A_43 = arith.addf %add3A, %add3A_42 : vector<2048x512xf32>
    %mul3A_44 = arith.constant 5.000000e-01 : f32
    %mul3A_45 = vector.broadcast %mul3A_44 : f32 to vector<2048x512xf32>
    %mul3A_46 = arith.mulf %mul3A_45, %add3A_43 : vector<2048x512xf32>
    %mul3A_47 = arith.constant 0.707106769 : f32
    %mul3A_48 = vector.broadcast %mul3A_47 : f32 to vector<2048x512xf32>
    %mul3A_49 = arith.mulf %add3A_43, %mul3A_48 : vector<2048x512xf32>
    %erf3A = math.erf %mul3A_49 : vector<2048x512xf32>
    %add3A_50 = arith.constant 1.000000e+00 : f32
    %add3A_51 = vector.broadcast %add3A_50 : f32 to vector<2048x512xf32>
    %add3A_52 = arith.addf %add3A_51, %erf3A : vector<2048x512xf32>
    %mul3A_53 = arith.mulf %mul3A_46, %add3A_52 : vector<2048x512xf32>
    %reduce_sum3A = arith.constant dense<0.000000e+00> : vector<2048xf32>
    %reduce_sum3A_54 = vector.multi_reduction <add>, %mul3A_53, %reduce_sum3A [1] : vector<2048x512xf32> to vector<2048xf32>
    %broadcast_in_dim3A = vector.shape_cast %reduce_sum3A_54 : vector<2048xf32> to vector<2048x1xf32>
    %div3A = arith.constant 5.120000e+02 : f32
    %div3A_55 = vector.broadcast %div3A : f32 to vector<2048x1xf32>
    %div3A_56 = arith.divf %broadcast_in_dim3A, %div3A_55 : vector<2048x1xf32>
    %mul3A_57 = arith.mulf %mul3A_53, %mul3A_53 : vector<2048x512xf32>
    %reduce_sum3A_58 = arith.constant dense<0.000000e+00> : vector<2048xf32>
    %reduce_sum3A_59 = vector.multi_reduction <add>, %mul3A_57, %reduce_sum3A_58 [1] : vector<2048x512xf32> to vector<2048xf32>
    %broadcast_in_dim3A_60 = vector.shape_cast %reduce_sum3A_59 : vector<2048xf32> to vector<2048x1xf32>
    %div3A_61 = arith.constant 5.120000e+02 : f32
    %div3A_62 = vector.broadcast %div3A_61 : f32 to vector<2048x1xf32>
    %div3A_63 = arith.divf %broadcast_in_dim3A_60, %div3A_62 : vector<2048x1xf32>
    %mul3A_64 = arith.mulf %div3A_56, %div3A_56 : vector<2048x1xf32>
    %sub3A = arith.subf %div3A_63, %mul3A_64 : vector<2048x1xf32>
    %add3A_65 = arith.constant 9.99999974E-6 : f32
    %add3A_66 = vector.broadcast %add3A_65 : f32 to vector<2048x1xf32>
    %add3A_67 = arith.addf %sub3A, %add3A_66 : vector<2048x1xf32>
    %rsqrt3A = math.rsqrt %add3A_67 : vector<2048x1xf32>
    %sub3A_68 = vector.broadcast %div3A_56 : vector<2048x1xf32> to vector<2048x512xf32>
    %sub3A_69 = arith.subf %mul3A_53, %sub3A_68 : vector<2048x512xf32>
    %mul3A_70 = vector.broadcast %rsqrt3A : vector<2048x1xf32> to vector<2048x512xf32>
    %mul3A_71 = arith.mulf %sub3A_69, %mul3A_70 : vector<2048x512xf32>
    %get3A_72 = arith.constant 0 : index
    %get3A_73 = arith.constant 0 : index
    %get3A_74 = vector.load %arg9[%get3A_72, %get3A_73] : memref<1x512xf32, #tpu.memory_space<vmem>>, vector<1x512xf32>
    %mul3A_75 = vector.broadcast %get3A_74 : vector<1x512xf32> to vector<2048x512xf32>
    %mul3A_76 = arith.mulf %mul3A_71, %mul3A_75 : vector<2048x512xf32>
    %get3A_77 = arith.constant 0 : index
    %get3A_78 = arith.constant 0 : index
    %get3A_79 = vector.load %arg10[%get3A_77, %get3A_78] : memref<1x512xf32, #tpu.memory_space<vmem>>, vector<1x512xf32>
    %add3A_80 = vector.broadcast %get3A_79 : vector<1x512xf32> to vector<2048x512xf32>
    %add3A_81 = arith.addf %mul3A_76, %add3A_80 : vector<2048x512xf32>
    %swap3A = arith.constant 0 : index
    %swap3A_82 = arith.constant 0 : index
    %swap3A_83 = vector.load %arg11[%swap3A, %swap3A_82] : memref<2048x512xf32, #tpu.memory_space<vmem>>, vector<2048x512xf32>
    tpu.vector_store %arg11[%swap3A, %swap3A_82], %add3A_81 {strides = array<i32>} : memref<2048x512xf32, #tpu.memory_space<vmem>>, vector<2048x512xf32>,
    return
  }
  func.func @transform_0(%arg0: i32) -> (i32, i32) {
    %c0_i32 = arith.constant 0 : i32
    %c0_i32_0 = arith.constant 0 : i32
    return %arg0, %c0_i32 : i32, i32
  }
  func.func @transform_1(%arg0: i32) -> (i32, i32) {
    %c0_i32 = arith.constant 0 : i32
    %c0_i32_0 = arith.constant 0 : i32
    return %arg0, %c0_i32 : i32, i32
  }
  func.func @transform_2(%arg0: i32) -> (i32, i32) {
    %c0_i32 = arith.constant 0 : i32
    %c0_i32_0 = arith.constant 0 : i32
    return %arg0, %c0_i32 : i32, i32
  }
  func.func @transform_3(%arg0: i32) -> (i32, i32) {
    %c0_i32 = arith.constant 0 : i32
    %c0_i32_0 = arith.constant 0 : i32
    return %arg0, %c0_i32 : i32, i32
  }
  func.func @transform_4(%arg0: i32) -> (i32, i32) {
    %c0_i32 = arith.constant 0 : i32
    %c0_i32_0 = arith.constant 0 : i32
    %c0_i32_1 = arith.constant 0 : i32
    return %c0_i32, %c0_i32_0 : i32, i32
  }
  func.func @transform_5(%arg0: i32) -> (i32, i32) {
    %c0_i32 = arith.constant 0 : i32
    %c0_i32_0 = arith.constant 0 : i32
    %c0_i32_1 = arith.constant 0 : i32
    return %c0_i32, %c0_i32_0 : i32, i32
  }
  func.func @transform_6(%arg0: i32) -> (i32, i32) {
    %c0_i32 = arith.constant 0 : i32
    %c0_i32_0 = arith.constant 0 : i32
    %c0_i32_1 = arith.constant 0 : i32
    return %c0_i32, %c0_i32_0 : i32, i32
  }
  func.func @transform_7(%arg0: i32) -> (i32, i32) {
    %c0_i32 = arith.constant 0 : i32
    %c0_i32_0 = arith.constant 0 : i32
    %c0_i32_1 = arith.constant 0 : i32
    return %c0_i32, %c0_i32_0 : i32, i32
  }
  func.func @transform_8(%arg0: i32) -> (i32, i32) {
    %c0_i32 = arith.constant 0 : i32
    %c0_i32_0 = arith.constant 0 : i32
    %c0_i32_1 = arith.constant 0 : i32
    return %c0_i32, %c0_i32_0 : i32, i32
  }
  func.func @transform_9(%arg0: i32) -> (i32, i32) {
    %c0_i32 = arith.constant 0 : i32
    %c0_i32_0 = arith.constant 0 : i32
    %c0_i32_1 = arith.constant 0 : i32
    return %c0_i32, %c0_i32_0 : i32, i32
  }
  func.func @transform_10(%arg0: i32) -> (i32, i32) {
    %c0_i32 = arith.constant 0 : i32
    %c0_i32_0 = arith.constant 0 : i32
    return %arg0, %c0_i32 : i32, i32
  }
}

</mosaic_0001>

<sc_bundles>
// kernel: kernel.4.cloned.1.call-start
scs
__scs_entry_jumppad:
0x0: {  	(pc) =	sbr.rel $0x88, $3  }
0x1: {  	(tag) =	ssettag $0x0;
	lr =	simm.s32 $0x1  }
0x2: {  	[smem:$0x3F91] =	sst lr;
	_ =	strace $0xD0000000  }
0x3: {  	_ = 	snop  }
0x4: {  	_ = 	snop  }
0x5: {  	_ = 	snop  }
0x6: {  	_ = 	snop  }
0x7: {  	_ = 	snop  }
__scs_overlays_trampoline_lowered:
0x8: {  	[smem:$0x3FA0] =	sst s0  }
0x9: {  	[smem:$0x3FA1] =	sst s1  }
0xa: {  	[smem:$0x3FA2] =	sst s2  }
0xb: {  	[smem:$0x3FA3] =	sst s3  }
0xc: {  	[smem:$0x3FA4] =	sst s4  }
0xd: {  	[smem:$0x3FA5] =	sst s5  }
0xe: {  	[smem:$0x3FA6] =	sst s6  }
0xf: {  	[smem:$0x3FA7] =	sst s7  }
0x10: {  	[smem:$0x3FA8] =	sst s8  }
0x11: {  	[smem:$0x3FA9] =	sst s9;
	s0 =	simm.s32 @!p0 $0x0  }
0x12: {  	s1 =	sld [smem:$0x3F8F];
	s0 =	simm.s32 @p0 $0x1  }
0x13: {  	[smem:$0x3FAA] =	sst s0;
	s0 =	simm.s32 @!p1 $0x0  }
0x14: {  	s2 =	sld [smem:$0x3F8E];
	s0 =	simm.s32 @p1 $0x1  }
0x15: {  	[smem:$0x3FAB] =	sst s0;
	s0 =	simm.s32 @!p2 $0x0  }
0x16: {  	s3 =	sld [smem:$0x3FDB];
	s0 =	simm.s32 @p2 $0x1  }
0x17: {  	s4 =	simm.s32 $0x1BF5;
	[smem:$0x3FAD] =	sst s0  }
0x18: {  	s0 =	sld [smem:$0x3F90];
	_ =	swait.ge [sflag:s4], $0x0  }
0x19: {  	s7 =	sld [smem:$0x3F91]  }
0x1a: {  	s8 =	sadd.s32 $0xFFFFE003, lr  }
0x1b: {  	s9 =	sadd.s32 $0xFFFFFEF7, lr;
	s5 =	simm.s32 $0xFFFFFFFF;
	p2 =	slt.u32 s8, $0xFFFFF086  }
0x1c: {  	p1 =	slt.u32 s9, $0xF7A;
	s5 =	simm.s32 @!p2 $0x0  }
0x1d: {  	s5 =	simm.s32 @p1 $0x1;
	p0 =	seq.s32 s7, s2  }
0x1e: {  	s7 =	smul.u32 @!p0 $0xF7A, s2;
	p2 =	seq.s32 @!p0 s5, $0x0  }
0x1f: {  	s9 =	smul.u32 $0xF7A, s1;
	s8 =	simm.s32 @!p0 $0x1BF5;
	p2 =	por !p2, p0  }
0x20: {  	[sflag:s8] =	ssyncset.s32 @!p0 $0xFFFFF086;
	s6 =	sadd.s32 @!p0 s3, s7;
	s7 =	simm.s32 @!p0 $0x108  }
0x21: {  	s3 =	sadd.s32 s3, s9;
	s6 =	sadd.s32 @!p0 $0x88, s6;
	s7 =	simm.s32 @p2 $0x1082  }
0x22: {  	[simem:s7], [sflag:s8] =	dma.local @!p0 [hbm:s6], $0xF7A  }
0x23: {  	s9 =	sor.u32 $0xD0000000, s2;
	s6 =	simm.s32 $0x108;
	_ =	swait.ge @!p0 [sflag:s8], $0x0  }
0x24: {  	s3 =	sadd.s32 $0x88, s3;
	s6 =	simm.s32 @!p1 $0x1082;
	[sflag:s4] =	ssyncset.s32 $0xFFFFF086  }
0x25: {  	[simem:s6], [sflag:s4] =	dma.local [hbm:s3], $0xF7A  }
0x26: {  	[smem:$0x3F91] =	sst s1;
	(tag) =	ssettag s2;
	_ =	strace s9  }
0x27: {  	s1 =	sld [smem:$0x3FA1]  }
0x28: {  	s2 =	sld [smem:$0x3FA2]  }
0x29: {  	s4 =	sld [smem:$0x3FA4]  }
0x2a: {  	p0 =	seq.s32 s5, $0x0;
	s5 =	sld [smem:$0x3FA5]  }
0x2b: {  	s6 =	sld [smem:$0x3FA6]  }
0x2c: {  	s7 =	sld [smem:$0x3FA7]  }
0x2d: {  	s3 =	simm.s32 $0x108;
	s8 =	sld [smem:$0x3FA8]  }
0x2e: {  	s3 =	simm.s32 @!p0 $0x1082;
	s9 =	sld [smem:$0x3FA9]  }
0x2f: {  	lr =	sadd.s32 s0, s3;
	s0 =	sld [smem:$0x3FA0]  }
0x30: {  	s3 =	sld [smem:$0x3FA3]  }
0x31: {  	[smem:$0x3FAC] =	sst s10  }
0x32: {  	s10 =	sld [smem:$0x3FAA];
	_ =	sdelay $0x3  }
0x33: {  	p0 =	seq.s32 s10, $0x1;
	s10 =	sld [smem:$0x3FAC];
	_ =	sdelay $0x3  }
0x34: {  	[smem:$0x3FAC] =	sst s10  }
0x35: {  	s10 =	sld [smem:$0x3FAB];
	_ =	sdelay $0x3  }
0x36: {  	p1 =	seq.s32 s10, $0x1;
	s10 =	sld [smem:$0x3FAC];
	_ =	sdelay $0x3  }
0x37: {  	[smem:$0x3FAC] =	sst s10  }
0x38: {  	s10 =	sld [smem:$0x3FAD]  }
0x39: {  	_ = 	snop;
	(pc) =	sbr.ind lr, $3  }
0x3a: {  	_ = 	snop  }
0x3b: {  	_ = 	snop  }
0x3c: {  	p2 =	seq.s32 s10, $0x1;
	s10 =	sld [smem:$0x3FAC]  }
0x3d: {  	_ =	shalt  }
0x3e: {  	_ =	shalt  }
0x3f: {  	_ =	shalt  }
0x40: {  	_ =	shalt  }
0x41: {  	_ =	shalt  }
0x42: {  	_ =	shalt  }
0x43: {  	_ =	shalt  }
0x44: {  	_ =	shalt  }
0x45: {  	_ =	shalt  }
0x46: {  	_ =	shalt  }
0x47: {  	_ =	shalt  }
0x48: {  	_ =	shalt  }
0x49: {  	_ =	shalt  }
0x4a: {  	_ =	shalt  }
0x4b: {  	_ =	shalt  }
0x4c: {  	_ =	shalt  }
0x4d: {  	_ =	shalt  }
0x4e: {  	_ =	shalt  }
0x4f: {  	_ =	shalt  }
0x50: {  	_ =	shalt  }
0x51: {  	_ =	shalt  }
0x52: {  	_ =	shalt  }
0x53: {  	_ =	shalt  }
0x54: {  	_ =	shalt  }
0x55: {  	_ =	shalt  }
0x56: {  	_ =	shalt  }
0x57: {  	_ =	shalt  }
0x58: {  	_ =	shalt  }
0x59: {  	_ =	shalt  }
0x5a: {  	_ =	shalt  }
0x5b: {  	_ =	shalt  }
0x5c: {  	_ =	shalt  }
0x5d: {  	_ =	shalt  }
0x5e: {  	_ =	shalt  }
0x5f: {  	_ =	shalt  }
0x60: {  	_ =	shalt  }
0x61: {  	_ =	shalt  }
0x62: {  	_ =	shalt  }
0x63: {  	_ =	shalt  }
0x64: {  	_ =	shalt  }
0x65: {  	_ =	shalt  }
0x66: {  	_ =	shalt  }
0x67: {  	_ =	shalt  }
0x68: {  	_ =	shalt  }
0x69: {  	_ =	shalt  }
0x6a: {  	_ =	shalt  }
0x6b: {  	_ =	shalt  }
0x6c: {  	_ =	shalt  }
0x6d: {  	_ =	shalt  }
0x6e: {  	_ =	shalt  }
0x6f: {  	_ =	shalt  }
0x70: {  	_ =	shalt  }
0x71: {  	_ =	shalt  }
0x72: {  	_ =	shalt  }
0x73: {  	_ =	shalt  }
0x74: {  	_ =	shalt  }
0x75: {  	_ =	shalt  }
0x76: {  	_ =	shalt  }
0x77: {  	_ =	shalt  }
0x78: {  	_ =	shalt  }
0x79: {  	_ =	shalt  }
0x7a: {  	_ =	shalt  }
0x7b: {  	_ =	shalt  }
0x7c: {  	_ =	shalt  }
0x7d: {  	_ =	shalt  }
0x7e: {  	_ =	shalt  }
0x7f: {  	_ =	shalt  }
0x80: {  	_ =	shalt  }
0x81: {  	_ =	shalt  }
0x82: {  	_ =	shalt  }
0x83: {  	_ =	shalt  }
0x84: {  	_ =	shalt  }
0x85: {  	_ =	shalt  }
0x86: {  	_ =	shalt  }
0x87: {  	_ =	shalt  }
.Lfunc_end0:
.L_simem_size_0:
called_computation_lowered:
.L_overlay_start_0:
0x88: {  	s2 =	sld [smem:$0x3FD9]  }
0x89: {  	s3 =	sld [smem:$0x3FFE];
	_ =	sdelay $0x1  }
0x8a: {  	s1 =	srdreg.scid  }
0x8b: {  	s0 =	sand.u32 $0x1, s1  }
0x8c: {  	s17 =	sshll.u32 s0, $0xA;
	s2 =	sadd.s32 s3, s2  }
0x8d: {  	s2 =	sadd.s32 s2, s17  }
0x8e: {  	[smem:$0x3FB8] =	sst s2  }
0x8f: {  	_ = 	snop  }
0x90: {  	s2 =	sld [smem:$0x3FC9]  }
0x91: {  	s18 =	sld [smem:$0x3FC8]  }
0x92: {  	s4 =	sld [smem:$0x3FC7]  }
0x93: {  	s5 =	sld [smem:$0x3FC3]  }
0x94: {  	s6 =	sld [smem:$0x3FD0];
	(tm) =	ssettm $0x1  }
0x95: {  	s7 =	sld [smem:$0x3FFB];
	_ =	sdelay $0x3  }
0x96: {  	_ =	strace s7  }
0x97: {  	s7 =	sld [smem:$0x3FFC];
	_ =	sdelay $0x3  }
0x98: {  	_ =	strace s7  }
0x99: {  	s7 =	sld [smem:$0x3FFD];
	_ =	sdelay $0x3  }
0x9a: {  	_ =	strace s7  }
0x9b: {  	_ =	strace $0x8FFFFFFF  }
0x9c: {  	s19 =	sld [smem:$0x3FDB];
	_ =	sdelay $0x1  }
0x9d: {  	s8 =	simm.s32 $_scs_section_size  }
0x9e: {  	s9 =	simm.s32 $_size__tile_overlayer_lowered;
	s10 =	simm.s32 $_tile_overlayer_lowered  }
0x9f: {  	s22 =	simm.s32 $0x1BFF;
	s21 =	sshll.u32 s10, $0x1;
	s7 =	sadd.s32 s8, s19  }
0xa0: {  	s11 =	simm.s32 $0x0;
	s20 =	sshll.u32 s9, $0x1;
	s9 =	sadd.s32 s21, s7  }
0xa1: {  	[timem:s11], [sflag:s22] =	dma.local [hbm:s9], s20  }
0xa2: {  	_ =	swait.ge [sflag:s22], s20  }
0xa3: {  	s8 =	ssub.s32 $0x0, s20;
	[sflag:s22] =	ssyncset.done $0x0  }
0xa4: {  	[sflag:s22] =	ssyncadd.s32 s8;
	_ =	sdelay $0x1  }
0xa5: {  	s23 =	simm.s32 $0x1B8B  }
0xa6: {  	_ =	swait.ge [sflag:s23], $0x1  }
0xa7: {  	[sflag:s23] =	ssyncset.done $0x0  }
0xa8: {  	s25 =	simm.s32 $0x1B8E;
	s24 =	sld [smem:$0x3FFE];
	[sflag:s23] =	ssyncadd.s32 $0xFFFFFFFF  }
0xa9: {  	s26 =	simm.s32 $execute0_lowered;
	[smem:$0x3FD2] =	sst s25  }
0xaa: {  	s9 =	sshll.u32 s26, $0x1;
	_ =	strace $0x80000046;
	[dreg:$0x1] =	wrdreg $0xFFFFFFFF  }
0xab: {  	s28 =	simm.s32 $_size_execute0_lowered;
	s7 =	sadd.s32 s7, s9;
	[dreg:$0x0] =	wrdreg $0x0  }
0xac: {  	s9 =	sshll.u32 s28, $0x1;
	[dreg:$0x2] =	wrdreg s7  }
0xad: {  	[dreg:$0x3] =	wrdreg s9  }
0xae: {  	[dreg:$0x4] =	wrdreg $0xC0  }
0xaf: {  	_ =	task [dreg:s11], $0x5FFFF  }
0xb0: {  	[dreg:$0x1] =	wrdreg $0xFFFFFFFF  }
0xb1: {  	[dreg:$0x0] =	wrdreg $0x60  }
0xb2: {  	[dreg:$0x2] =	wrdreg s2  }
0xb3: {  	[dreg:$0x3] =	wrdreg s18  }
0xb4: {  	[dreg:$0x4] =	wrdreg s4  }
0xb5: {  	[dreg:$0x5] =	wrdreg s24  }
0xb6: {  	[dreg:$0x6] =	wrdreg s5  }
0xb7: {  	[dreg:$0x7] =	wrdreg s6  }
0xb8: {  	[dreg:$0x8] =	wrdreg $0x9  }
0xb9: {  	_ =	task.clear_ibuf [dreg:s11], $0x9FFFF;
	_ =	strace $0x90000046  }
0xba: {  	s29 =	simm.s32 $0x9;
	_ =	strace $0x80000048  }
0xbb: {  	_ =	swait.ge [sflag:s29], $0x1  }
0xbc: {  	[sflag:s29] =	ssyncadd.s32 $0xFFFFFFFF  }
0xbd: {  	_ =	strace $0x90000048  }
0xbe: {  	_ =	sfence  }
0xbf: {  	s30 =	sld [smem:$0x0];
	_ =	sdelay $0x2  }
0xc0: {  	s31 =	sshll.u32 s1, $0xD;
	s1 =	sshrl.u32 s1, $0x2  }
0xc1: {  	s3 =	sand.u32 $0x4000, s31;
	s1 =	sadd.s32 s1, s30  }
0xc2: {  	s0 =	sor.u32 s3, s0;
	s1 =	sshll.u32 s1, $0x11  }
0xc3: {  	s0 =	sor.u32 s1, s0  }
0xc4: {  	s0 =	sadd.s32 $0x8F2B, s0  }
0xc5: {  	[sflag:s0] =	ssyncadd.remote.s32 $0x1  }
0xc6: {  	_ =	sfence.sel $0xFFFF  }
0xc7: {  	[dreg:$0x0] =	wrdreg $0xFFFFFFFF;
	(pc) =	sbr.abs _section_cstart, $3  }
0xc8: {  	[dreg:$0x1] =	wrdreg $0xFFFFFFFF  }
0xc9: {  	_ =	task.clear_ibuf [dreg:s11], $0x2FFFF;
	_ =	strace $0x9FFFFFFF  }
0xca: {  	(tm) =	ssettm $0x7FFFFFFF  }
0xcb: {  	_ =	shalt  }
tec
execute0_lowered:
.L_overlay_start_1:
0x0: {  	(tag) =	ssettag $0x1  }
0x1: {  	s0 =	rddreg [dreg:$0x0]  }
0x2: {  	s2 =	rddreg [dreg:$0x1]  }
0x3: {  	s5 =	rddreg [dreg:$0x2]  }
0x4: {  	s6 =	rddreg [dreg:$0x3]  }
0x5: {  	s1 =	rddreg [dreg:$0x4]  }
0x6: {  	s14 =	rddreg [dreg:$0x5]  }
0x7: {  	s3 =	simm.s32 $0x0;
	s4 =	srdreg.scid;
	s8 =	stileid.u32  }
0x8: {  	s18 =	simm.s32 $0x400;
	s19 =	simm.s32 $0x1;
	s20 =	simm.s32 $0x2  }
0x9: {  	s21 =	simm.s32 $0x3;
	s28 =	simm.s32 $0x4800;
	s30 =	simm.s32 $0xC800  }
0xa: {  	s31 =	simm.s32 $0x5;
	s29 =	simm.s32 $0x8;
	[smem:$0x7FF] =	sst s3  }
0xb: {  	s4 =	sand.u32 $0x1, s4;
	s8 =	sshll.u32 s8, $0xA;
	s15 =	sadd.s32 $0x9A00, s6  }
0xc: {  	_ =	strace $0x80000047;
	s7 =	ssub.s32 $0x2, s4;
	s9 =	sshll.u32 s4, $0x9  }
0xd: {  	s4 =	sadd.s32 $0x2200, s6;
	s10 =	sshrl.u32 s7, $0x1;
	s8 =	sor.u32 s9, s8  }
0xe: {  	s16 =	ssub.s32 s7, s10;
	s22 =	sshrl.u32 s8, $0x3;
	s24 =	sshll.u32 s8, $0x4  }
0xf: {  	s0 =	sadd.s32 s0, s22;
	s23 =	sadd.s32 s5, s22;
	s7 =	sadd.s32 s2, s22  }
0x10: {  	s8 =	sadd.s32 s14, s24;
	s25 =	sor.u32 $0x800, s24;
	s9 =	sadd.s32 s15, s24  }
0x11: {  	s26 =	sor.u32 $0x1000, s24;
	s16 =	smax.u32 s16, $0x1;
	[dreg:$0x7] =	wrdreg s0  }
0x12: {  	s22 =	simm.s32 $0x80;
	s2 =	simm.s32 $0x0;
	[dreg:$0x8] =	wrdreg s23  }
0x13: {  	s10 =	sadd.s32 s14, s25;
	s11 =	sadd.s32 s15, s25;
	s12 =	sadd.s32 s14, s26  }
0x14: {  	s0 =	sor.u32 $0x1800, s24;
	s13 =	sadd.s32 s15, s26;
	s24 =	simm.s32 $0x800  }
0x15: {  	s25 =	simm.s32 $0x8800;
	s23 =	simm.s32 $0x4;
	s26 =	simm.s32 $0x6  }
0x16: {  	s14 =	sadd.s32 s14, s0;
	s15 =	sadd.s32 s15, s0;
	s0 =	simm.s32 $0x7  }
.LBB2_1:
0x17: {  	s5 =	rddreg [dreg:$0x7]  }
0x18: {  	[tilespmem:s3], [sflag:$0x1] =	stream.linear.gather [hbm4b:s5+s3], $0x200, $0x38;
	[tilespmem:$0x10800] =	vst v63  }
0x19: {  	s17 =	rddreg [dreg:$0x8];
	s6 =	simm.s32 $0x200  }
0x1a: {  	[tilespmem:s6], [sflag:$0x2] =	stream.linear.gather [hbm4b:s17+s3], $0x200, $0x38;
	[tilespmem:$0x10800] =	vst v63  }
0x1b: {  	_ = 	snop  }
0x1c: {  	[tilespmem:s18], [sflag:$0x3] =	stream.linear.gather [hbm4b:s7+s3], $0x200, $0x38;
	[tilespmem:$0x10800] =	vst v63  }
0x1d: {  	_ =	swait.ge [sflag:s19], $0x200  }
0x1e: {  	[sflag:s19] =	ssyncset.done $0x0  }
0x1f: {  	[sflag:s19] =	ssyncadd.s32 $0xFFFFFE00  }
0x20: {  	_ =	swait.ge [sflag:s20], $0x200  }
0x21: {  	[sflag:s20] =	ssyncset.done $0x0  }
0x22: {  	[sflag:s20] =	ssyncadd.s32 $0xFFFFFE00  }
0x23: {  	_ =	swait.ge [sflag:s21], $0x200  }
0x24: {  	[sflag:s21] =	ssyncset.done $0x0  }
0x25: {  	s17 =	simm.s32 $0x0;
	[sflag:s21] =	ssyncadd.s32 $0xFFFFFE00  }
0x26: {  	v0 =	vld [tilespmem:s17+$0x0]  }
0x27: {  	s5 =	simm.s32 $0x40;
	v1 =	vld [tilespmem:s17+$0x200]  }
.LBB2_2:
0x28: {  	_ = 	snop  }
0x29: {  	p0 =	sne.s32 s5, $0x7C0  }
.Ltmp0:
0x2a: {  	_ = 	snop;
	(pc) =	sbr.rel @p0 .LBB2_2-.Ltmp0, $4  }
0x2b: {  	v2 =	vmul.u32 $0x78, v0  }
0x2c: {  	s6 =	sshra.s32 s5, $0x2  }
0x2d: {  	v0 =	vld [tilespmem:s6+$0x0];
	v2 =	vadd.s32 v1, v2  }
0x2e: {  	s5 =	sadd.s32 $0x40, s5;
	v1 =	vld [tilespmem:s6+$0x200];
	[tilespmem:s17+$0x600] =	vst v2;
	s17 =	smov.u32 s6  }
0x2f: {  	_ =	sdelay $0x2  }
0x30: {  	v0 =	vmul.u32 $0x78, v0;
	_ =	sdelay $0x1  }
0x31: {  	v0 =	vadd.s32 v1, v0  }
0x32: {  	s5 =	simm.s32 $0x600;
	[tilespmem:s17+$0x600] =	vst v0  }
0x33: {  	[tilespmem:s24], [sflag:$0x1] =	stream.indirect.gather [hbm4b:s4+s22], $0x80, s5, s22, $0xb8;
	[tilespmem:$0x10800] =	vst v63  }
0x34: {  	_ = 	snop  }
0x35: {  	[tilespmem:s25], [sflag:$0x3] =	stream.indirect.gather [hbm4b:s1+s22], $0x80, s18, s22, $0xb8;
	[tilespmem:$0x10800] =	vst v63  }
0x36: {  	s6 =	simm.s32 $0x680  }
0x37: {  	[tilespmem:s28], [sflag:$0x2] =	stream.indirect.gather [hbm4b:s4+s22], $0x80, s6, s22, $0xb8;
	[tilespmem:$0x10800] =	vst v63  }
0x38: {  	s17 =	simm.s32 $0x480  }
0x39: {  	[tilespmem:s30], [sflag:$0x4] =	stream.indirect.gather [hbm4b:s1+s22], $0x80, s17, s22, $0xb8;
	[tilespmem:$0x10800] =	vst v63  }
0x3a: {  	_ =	swait.ge [sflag:s19], $0x4000  }
0x3b: {  	[sflag:s19] =	ssyncset.done $0x0  }
0x3c: {  	[sflag:s19] =	ssyncadd.s32 $0xFFFFC000  }
0x3d: {  	_ =	swait.ge [sflag:s21], $0x4000  }
0x3e: {  	[sflag:s21] =	ssyncset.done $0x0  }
0x3f: {  	[sflag:s21] =	ssyncadd.s32 $0xFFFFC000  }
0x40: {  	[hbm4b:s8+s3] =	stream.linear.scatter [tilespmem:s24], [sflag:$0x5], $0x4000, $0x38;
	[tilespmem:$0x10800] =	vst v63  }
0x41: {  	_ = 	snop  }
0x42: {  	[hbm4b:s9+s3] =	stream.linear.scatter [tilespmem:s25], [sflag:$0x7], $0x4000, $0x38;
	[tilespmem:$0x10800] =	vst v63  }
0x43: {  	_ =	swait.ge [sflag:s31], $0x4000  }
0x44: {  	[sflag:s31] =	ssyncset.done $0x0  }
0x45: {  	[sflag:s31] =	ssyncadd.s32 $0xFFFFC000  }
0x46: {  	_ =	swait.ge [sflag:s0], $0x4000  }
0x47: {  	[sflag:s0] =	ssyncset.done $0x0  }
0x48: {  	s6 =	simm.s32 $0x700;
	[sflag:s0] =	ssyncadd.s32 $0xFFFFC000  }
0x49: {  	[tilespmem:s24], [sflag:$0x1] =	stream.indirect.gather [hbm4b:s4+s22], $0x80, s6, s22, $0xb8;
	[tilespmem:$0x10800] =	vst v63  }
0x4a: {  	s17 =	simm.s32 $0x500  }
0x4b: {  	[tilespmem:s25], [sflag:$0x3] =	stream.indirect.gather [hbm4b:s1+s22], $0x80, s17, s22, $0xb8;
	[tilespmem:$0x10800] =	vst v63  }
0x4c: {  	_ =	swait.ge [sflag:s20], $0x4000  }
0x4d: {  	[sflag:s20] =	ssyncset.done $0x0  }
0x4e: {  	[sflag:s20] =	ssyncadd.s32 $0xFFFFC000  }
0x4f: {  	_ =	swait.ge [sflag:s23], $0x4000  }
0x50: {  	[sflag:s23] =	ssyncset.done $0x0  }
0x51: {  	[sflag:s23] =	ssyncadd.s32 $0xFFFFC000  }
0x52: {  	[hbm4b:s10+s3] =	stream.linear.scatter [tilespmem:s28], [sflag:$0x6], $0x4000, $0x38;
	[tilespmem:$0x10800] =	vst v63  }
0x53: {  	_ = 	snop  }
0x54: {  	[hbm4b:s11+s3] =	stream.linear.scatter [tilespmem:s30], [sflag:$0x8], $0x4000, $0x38;
	[tilespmem:$0x10800] =	vst v63  }
0x55: {  	_ =	swait.ge [sflag:s26], $0x4000  }
0x56: {  	[sflag:s26] =	ssyncset.done $0x0  }
0x57: {  	[sflag:s26] =	ssyncadd.s32 $0xFFFFC000  }
0x58: {  	_ =	swait.ge [sflag:s29], $0x4000  }
0x59: {  	[sflag:s29] =	ssyncset.done $0x0  }
0x5a: {  	s6 =	simm.s32 $0x780;
	[sflag:s29] =	ssyncadd.s32 $0xFFFFC000  }
0x5b: {  	[tilespmem:s28], [sflag:$0x2] =	stream.indirect.gather [hbm4b:s4+s22], $0x80, s6, s22, $0xb8;
	[tilespmem:$0x10800] =	vst v63  }
0x5c: {  	s17 =	simm.s32 $0x580  }
0x5d: {  	[tilespmem:s30], [sflag:$0x4] =	stream.indirect.gather [hbm4b:s1+s22], $0x80, s17, s22, $0xb8;
	[tilespmem:$0x10800] =	vst v63  }
0x5e: {  	_ =	swait.ge [sflag:s19], $0x4000  }
0x5f: {  	[sflag:s19] =	ssyncset.done $0x0  }
0x60: {  	[sflag:s19] =	ssyncadd.s32 $0xFFFFC000  }
0x61: {  	_ =	swait.ge [sflag:s21], $0x4000  }
0x62: {  	[sflag:s21] =	ssyncset.done $0x0  }
0x63: {  	[sflag:s21] =	ssyncadd.s32 $0xFFFFC000  }
0x64: {  	[hbm4b:s12+s3] =	stream.linear.scatter [tilespmem:s24], [sflag:$0x5], $0x4000, $0x38;
	[tilespmem:$0x10800] =	vst v63  }
0x65: {  	_ = 	snop  }
0x66: {  	[hbm4b:s13+s3] =	stream.linear.scatter [tilespmem:s25], [sflag:$0x7], $0x4000, $0x38;
	[tilespmem:$0x10800] =	vst v63  }
0x67: {  	_ =	swait.ge [sflag:s20], $0x4000  }
0x68: {  	[sflag:s20] =	ssyncset.done $0x0  }
0x69: {  	[sflag:s20] =	ssyncadd.s32 $0xFFFFC000  }
0x6a: {  	_ =	swait.ge [sflag:s23], $0x4000  }
0x6b: {  	[sflag:s23] =	ssyncset.done $0x0  }
0x6c: {  	[sflag:s23] =	ssyncadd.s32 $0xFFFFC000  }
0x6d: {  	[hbm4b:s14+s3] =	stream.linear.scatter [tilespmem:s28], [sflag:$0x6], $0x4000, $0x38;
	[tilespmem:$0x10800] =	vst v63  }
0x6e: {  	_ = 	snop  }
0x6f: {  	[hbm4b:s15+s3] =	stream.linear.scatter [tilespmem:s30], [sflag:$0x8], $0x4000, $0x38;
	[tilespmem:$0x10800] =	vst v63  }
0x70: {  	_ =	swait.ge [sflag:s31], $0x4000  }
0x71: {  	[sflag:s31] =	ssyncset.done $0x0  }
0x72: {  	[sflag:s31] =	ssyncadd.s32 $0xFFFFC000  }
0x73: {  	_ =	swait.ge [sflag:s0], $0x4000  }
0x74: {  	[sflag:s0] =	ssyncset.done $0x0  }
0x75: {  	s2 =	sadd.s32 $0x1, s2;
	[sflag:s0] =	ssyncadd.s32 $0xFFFFC000  }
0x76: {  	p0 =	sne.s32 s2, s16;
	_ =	swait.ge [sflag:s26], $0x4000  }
.Ltmp1:
0x77: {  	[sflag:s26] =	ssyncset.done $0x0;
	(pc) =	sbr.rel @p0 .LBB2_1-.Ltmp1, $4  }
0x78: {  	[sflag:s26] =	ssyncadd.s32 $0xFFFFC000  }
0x79: {  	_ =	swait.ge [sflag:s29], $0x4000  }
0x7a: {  	[sflag:s29] =	ssyncset.done $0x0  }
0x7b: {  	[sflag:s29] =	ssyncadd.s32 $0xFFFFC000  }
0x7c: {  	_ =	sfence.sel $0x180000  }
0x7d: {  	[bflag:$0x0] =	sbarrier.arrive $0xFFFF  }
0x7e: {  	_ =	strace $0x90000047  }
0x7f: {  	s0 =	stileid.u32;
	[bflag:$0x2] =	sbarrier.arrive $0xFFFF  }
0x80: {  	p0 =	sne.s32 s0, $0x0;
	s0 =	rddreg [dreg:$0x6]  }
0x81: {  	s0 =	sadd.s32 @!p0 $0x100000, s0  }
0x82: {  	[sflag:s0] =	ssyncadd.tile.s32 @!p0 $0x1;
	_ =	shalt  }
.Lfunc_end2:
_tile_overlayer_lowered:
.L_overlay_start_2:
0x83: {  	(tag) =	ssettag $0x2  }
0x84: {  	s0 =	rddreg [dreg:$0x0];
	s2 =	stileid.u32  }
0x85: {  	s1 =	rddreg [dreg:$0x1];
	p0 =	sne.s32 s2, $0x0  }
0x86: {  	s3 =	rddreg [dreg:$0x2];
	[bflag:$0x3] =	sbarrier.arrive $0xFFFF;
	s2 =	simm.s32 @!p0 $0x1C09  }
0x87: {  	[timem:s3], [sflag:s2] =	dma.local @!p0 [hbm:s0], s1  }
0x88: {  	s0 =	simm.s32 @!p0 $0x9  }
0x89: {  	_ =	swait.ge @!p0 [sflag:s0], s1  }
0x8a: {  	s1 =	ssub.s32 @!p0 $0x0, s1;
	[sflag:s0] =	ssyncset.done @!p0 $0x0  }
0x8b: {  	[sflag:s0] =	ssyncadd.s32 @!p0 s1  }
0x8c: {  	[bflag:$0x3] =	sbarrier.arrive $0xFFFF  }
0x8d: {  	_ =	shalt  }

</sc_bundles>
